<compile_context>
chip_gen: v7x
topology: tpu7x:2x2x1
jax: 0.10.2.dev20260603
libtpu: 0.0.44.dev20260713+nightly
codegen_flags: <defaults>
</compile_context>

<pallas_src>
import functools

import jax
import jax.numpy as jnp
from jax import lax
from jax.experimental import pallas as pl
from jax.experimental.pallas import tpu as pltpu
from jax.experimental.pallas import tpu_sc as plsc

_PW = 2.0
_ALPHA = 0.75
_HNM = 10
_TVA = 0.3
_TVB = 0.7
_SC_N = 2


def _rsum(x):
    return jnp.sum(jnp.sum(x, axis=0))


def _focal_map(praw, t):
    p = jnp.clip(praw, 1e-6, 1 - 1e-6)
    is_pos = t == 1.0
    p_t = jnp.where(is_pos, p, 1.0 - p)
    q = 1.0 - p_t
    coef = jnp.where(is_pos, _ALPHA * _PW, 1.0 - _ALPHA)
    focal = -(coef * q * q) * jnp.log(p_t)
    return p, is_pos, focal



def _log16(y):
    bits = lax.bitcast_convert_type(y, jnp.int32)
    e = lax.shift_right_arithmetic(bits, 23) - 127
    m = lax.bitcast_convert_type((bits & 0x007FFFFF) | 0x3F800000,
                                 jnp.float32)
    big = m > 1.41421356
    m = jnp.where(big, m * 0.5, m)
    e = e + jnp.where(big, 1, 0)
    z = m - 1.0
    p = 7.0376836292e-2
    for c in (-1.1514610310e-1, 1.1676998740e-1, -1.2420140846e-1,
              1.4249322787e-1, -1.6668057665e-1, 2.0000714765e-1,
              -2.4999993993e-1, 3.3333331174e-1):
        p = p * z + c
    z2 = z * z
    r = z - 0.5 * z2 + z * z2 * p
    return r + e.astype(jnp.float32) * 0.6931471805599453


def _make_sc_huber(sc_n, H, W):
    info = plsc.get_sparse_core_info()
    nc = info.num_cores
    nw = nc * info.num_subcores
    rows_w = sc_n * H // nw
    ch_rows = min(32, rows_w)
    n_ch = rows_w // ch_rows
    w_per_s = H // rows_w

    mesh = plsc.VectorSubcoreMesh(core_axis_name="c", subcore_axis_name="s")

    @functools.partial(
        pl.kernel, mesh=mesh,
        out_type=jax.ShapeDtypeStruct((nw * 32,), jnp.float32),
        scratch_types=[pltpu.VMEM((ch_rows, W), jnp.float32),
                       pltpu.VMEM((ch_rows, W), jnp.float32),
                       pltpu.VMEM((ch_rows, W), jnp.float32),
                       pltpu.VMEM((32,), jnp.float32)],
    )
    def sc_huber(prob_hbm, rlog_hbm, rsp_hbm, out_hbm, bp, bl, br, ob):
        wid = lax.axis_index("s") * nc + lax.axis_index("c")
        smp = wid // w_per_s
        row0 = (wid % w_per_s) * rows_w
        hw = jnp.zeros((16,), jnp.float32)
        ww = jnp.zeros((16,), jnp.float32)

        def inner(j, carry):
            h, w = carry
            r = j // (W // 16)
            o = (j % (W // 16)) * 16
            pv = bp[r, pl.ds(o, 16)]
            rl = bl[r, pl.ds(o, 16)]
            rs = br[r, pl.ds(o, 16)]
            lt = _log16(1.0 + jnp.maximum(rs, 0.0))
            gate = jnp.where((pv > 0.1) | (rs > 1.0), 1.0, 0.0)
            heavy = jnp.where(rs >= 50.0, 3.0, 0.0)
            wt = gate * (1.0 + heavy)
            d = rl - lt
            ad = jnp.abs(d)
            hb = jnp.where(ad < 1.0, 0.5 * d * d, ad - 0.5)
            return h + hb * wt, w + wt

        for ch in range(n_ch):
            r0 = row0 + ch * ch_rows
            pltpu.sync_copy(prob_hbm.at[smp, pl.ds(r0, ch_rows), :], bp)
            pltpu.sync_copy(rlog_hbm.at[smp, pl.ds(r0, ch_rows), :], bl)
            pltpu.sync_copy(rsp_hbm.at[smp, pl.ds(r0, ch_rows), :], br)
            hw, ww = lax.fori_loop(0, ch_rows * W // 16, inner, (hw, ww))

        ob[pl.ds(0, 16)] = hw
        ob[pl.ds(16, 16)] = ww
        pltpu.sync_copy(ob, out_hbm.at[pl.ds(wid * 32, 32)])

    return sc_huber



def _body(prob_ref, label_ref, rlog_ref, rsp_ref, pp_ref, pt_ref, mu_ref,
          std_ref, out_ref):
    b = pl.program_id(0)
    praw = prob_ref[0]
    t = label_ref[0]

    p, _, focal = _focal_map(praw, t)
    n_pos_f = _rsum(t)
    sum_pos = _rsum(focal * t)
    neg_all = _rsum(focal) - sum_pos

    tp = _rsum(p * t)
    fp = _rsum(p) - tp
    fn = n_pos_f - tp
    tv_b = 1.0 - (tp + 1.0) / (tp + _TVA * fp + _TVB * fn + 1.0)

    out_ref[0, 0, 0] = sum_pos
    out_ref[0, 0, 1] = tv_b
    out_ref[0, 0, 5] = n_pos_f
    out_ref[0, 0, 6] = neg_all

    @pl.when(b >= _SC_N)
    def _huber():
        r = rsp_ref[0]
        rlt = jnp.log(1.0 + jnp.maximum(r, 0.0))
        gate = jnp.logical_or(praw > 0.1, r > 1.0).astype(jnp.float32)
        heavy = (r >= 50.0).astype(jnp.float32)
        w = gate * (1.0 + 3.0 * heavy)
        d = rlog_ref[0] - rlt
        ad = jnp.abs(d)
        hub = jnp.where(ad < 1.0, 0.5 * d * d, ad - 0.5)
        out_ref[0, 0, 2] = _rsum(hub * w)
        out_ref[0, 0, 3] = _rsum(w)

    @pl.when(b < _SC_N)
    def _huber0():
        out_ref[0, 0, 2] = 0.0
        out_ref[0, 0, 3] = 0.0

    @pl.when(b == 0)
    def _aux():
        norm = (pt_ref[...] - mu_ref[...]) / (std_ref[...] + 1e-6)
        norm = jnp.where(jnp.isnan(norm), 0.0, norm)
        out_ref[0, 0, 4] = jnp.mean((pp_ref[...] - norm) ** 2)

    @pl.when(b != 0)
    def _aux0():
        out_ref[0, 0, 4] = 0.0


def _fb_body(prob_ref, label_ref, out_ref):
    praw = prob_ref[0]
    t = label_ref[0]
    H, W = praw.shape
    N = H * W
    _, is_pos, focal = _focal_map(praw, t)
    n_pos_i = _rsum(t).astype(jnp.int32)
    n_neg_i = N - n_pos_i
    k = jnp.minimum(n_pos_i * _HNM, n_neg_i)

    vals = jnp.where(is_pos, -1.0, focal)
    vbits = lax.bitcast_convert_type(vals, jnp.int32)

    def step(_, lh):
        lo, hi = lh
        mid = lo + (hi - lo + 1) // 2
        cnt = jnp.sum(jnp.sum((vbits >= mid).astype(jnp.int32), axis=0))
        take = cnt >= k
        return (jnp.where(take, mid, lo), jnp.where(take, hi, mid - 1))

    lo, _ = lax.fori_loop(0, 31, step, (jnp.int32(0), jnp.int32(0x7F7FFFFF)))
    gt = vbits > lo
    eq = vbits == lo
    cnt_gt = _rsum(gt.astype(jnp.float32))
    cnt_eq = jnp.maximum(_rsum(eq.astype(jnp.float32)), 1.0)
    sum_gt = _rsum(jnp.where(gt, focal, 0.0))
    sum_eq = _rsum(jnp.where(eq, focal, 0.0))
    out_ref[0, 0, 0] = (sum_gt
                        + (k.astype(jnp.float32) - cnt_gt) * sum_eq / cnt_eq)


def kernel(prob_map, rain_logit, pred_phys, label_map, rain_max_true,
           rain_spatial_true, phys_targets, phys_mu, phys_std):
    B, H, W = prob_map.shape
    N = H * W
    P = pred_phys.shape[1]
    mu_b = jnp.broadcast_to(phys_mu[None, :], (B, P))
    std_b = jnp.broadcast_to(phys_std[None, :], (B, P))

    sc_out = _make_sc_huber(_SC_N, H, W)(
        prob_map, rain_logit, rain_spatial_true)

    img = pl.BlockSpec((1, H, W), lambda b: (b, 0, 0))
    img_clamp = pl.BlockSpec((1, H, W),
                             lambda b: (jnp.maximum(b, _SC_N), 0, 0))
    small = pl.BlockSpec((B, P), lambda b: (0, 0))
    stats = pl.pallas_call(
        _body,
        grid=(B,),
        in_specs=[img, img, img_clamp, img_clamp, small, small, small, small],
        out_specs=pl.BlockSpec((1, 1, 8), lambda b: (b, 0, 0),
                               memory_space=pltpu.SMEM),
        out_shape=jax.ShapeDtypeStruct((B, 1, 8), jnp.float32),
    )(prob_map, label_map, rain_logit, rain_spatial_true,
      pred_phys, phys_targets, mu_b, std_b)

    stats = stats[:, 0, :]
    sum_pos = stats[:, 0]
    tv_b = stats[:, 1]
    n_pos_f = stats[:, 5]
    neg_all = stats[:, 6]

    n_pos_i = n_pos_f.astype(jnp.int32)
    n_neg_i = N - n_pos_i
    n_hard_i = jnp.minimum(n_pos_i * _HNM, n_neg_i)
    common = n_hard_i == n_neg_i

    def _fallback():
        fb = pl.pallas_call(
            _fb_body,
            grid=(B,),
            in_specs=[img, img],
            out_specs=pl.BlockSpec((1, 1, 8), lambda b: (b, 0, 0),
                                   memory_space=pltpu.SMEM),
            out_shape=jax.ShapeDtypeStruct((B, 1, 8), jnp.float32),
        )(prob_map, label_map)
        return jnp.where(common, neg_all, fb[:, 0, 0])

    sum_hard = lax.cond(jnp.all(common), lambda: neg_all, _fallback)

    fl = jnp.mean((sum_pos + sum_hard)
                  / (n_pos_f + n_hard_i.astype(jnp.float32)))
    tv = jnp.mean(tv_b)
    sco = sc_out.reshape(-1, 2, 16)
    reg_num = jnp.sum(stats[:, 2]) + jnp.sum(sco[:, 0, :])
    reg_den = jnp.sum(stats[:, 3]) + jnp.sum(sco[:, 1, :])
    reg = reg_num / jnp.maximum(reg_den, 1.0)
    aux = stats[0, 4]
    total = fl + 0.5 * tv + 1.0 * reg + 0.1 * aux
    return (total, fl, tv, reg, aux)

# --- scband reference (transcript-rebuilt; emitter-appended) ---
"""Pipeline reference for scband-cloud-cast-loss-67473936220950 (READ-ONLY COPY).

The authoritative reference and input builder live on the scoring server;
editing this copy changes nothing except your own understanding.
"""

import jax, jax.numpy as jnp
import numpy as np

CFG = {"focal_alpha": 0.75, "focal_gamma": 2.0, "hard_neg_ratio": 10, "tversky_alpha": 0.3, "tversky_beta": 0.7, "tversky_weight": 0.5, "regression_weight": 1.0, "aux_loss_weight": 0.1}
PIXEL_PW = 2.0
RAIN_LOG_STD = 1.0


def setup_inputs(seed: int = 0) -> dict:
    key = jax.random.key(seed)
    ks = jax.random.split(key, 8)
    B, H, W, P = 16, 512, 512, 16
    prob_map = jax.random.uniform(ks[0], (B, H, W), dtype=jnp.float32)
    rain_logit = jax.random.normal(ks[1], (B, H, W), dtype=jnp.float32)
    pred_phys = jax.random.normal(ks[2], (B, P), dtype=jnp.float32)
    label_map = jax.random.randint(ks[3], (B, H, W), 0, 2).astype(jnp.float32)
    rain_max_true = jax.random.uniform(ks[4], (B,), dtype=jnp.float32)
    rain_spatial_true = jax.random.uniform(ks[5], (B, H, W), dtype=jnp.float32)
    phys_targets = jax.random.normal(ks[6], (B, P), dtype=jnp.float32)
    phys_mu = jnp.zeros((P,), jnp.float32)
    phys_std = jnp.ones((P,), jnp.float32)
    return {"prob_map": prob_map, "rain_logit": rain_logit, "pred_phys": pred_phys,
            "label_map": label_map, "rain_max_true": rain_max_true,
            "rain_spatial_true": rain_spatial_true, "phys_targets": phys_targets,
            "phys_mu": phys_mu, "phys_std": phys_std}


def _hnm_focal(pred, target, alpha, gamma, pos_weight, hnm_ratio):
    # NOTE: inputs guarantee every batch element has positives (>=0.5), so only
    # the positive branch of the original per-batch loop is exercised.
    pred = jnp.clip(pred, 1e-06, 1 - 1e-06)
    bce = -(pos_weight * target * jnp.log(pred) + (1 - target) * jnp.log(1 - pred))
    p_t = jnp.where(target == 1, pred, 1 - pred)
    a_t = jnp.where(target == 1, jnp.full_like(pred, alpha), jnp.full_like(pred, 1 - alpha))
    focal = a_t * (1 - p_t) ** gamma * bce
    B = pred.shape[0]
    N = int(np.prod(pred.shape[1:]))
    focal_f = focal.reshape(B, N)
    t_f = target.reshape(B, N)
    pos_mask = t_f >= 0.5
    n_pos = pos_mask.sum(axis=1)
    n_neg = N - n_pos
    n_hard = jnp.minimum(n_pos * hnm_ratio, n_neg)
    sum_pos = jnp.sum(jnp.where(pos_mask, focal_f, 0.0), axis=1)
    neg_vals = jnp.where(pos_mask, jnp.full_like(focal_f, -1e30), focal_f)
    sorted_desc = -jnp.sort(-neg_vals, axis=1)  # descending; top n_hard negatives
    rank = jnp.arange(N)[None, :]
    sum_hard = jnp.sum(jnp.where(rank < n_hard[:, None], sorted_desc, 0.0), axis=1)
    means = (sum_pos + sum_hard) / (n_pos + n_hard).astype(jnp.float32)
    return means.mean()


def _tversky(pred, target, alpha, beta, smooth=1.0):
    pred = jnp.clip(pred, 1e-06, 1 - 1e-06)
    B = pred.shape[0]
    p = pred.reshape(B, -1)
    t = target.reshape(B, -1)
    tp = (p * t).sum(1)
    fp = (p * (1 - t)).sum(1)
    fn = ((1 - p) * t).sum(1)
    return (1 - (tp + smooth) / (tp + alpha * fp + beta * fn + smooth)).mean()


def reference(prob_map, rain_logit, pred_phys, label_map, rain_max_true, rain_spatial_true, phys_targets, phys_mu, phys_std):
    fl = _hnm_focal(prob_map, label_map, CFG["focal_alpha"], CFG["focal_gamma"], PIXEL_PW, CFG["hard_neg_ratio"])
    tv = _tversky(prob_map, label_map, CFG["tversky_alpha"], CFG["tversky_beta"])
    rain_log_std = max(RAIN_LOG_STD, 0.001)
    rain_log_true = jnp.log1p(jnp.clip(rain_spatial_true, 0.0))
    gate = ((jax.lax.stop_gradient(prob_map) > 0.1) | (rain_spatial_true > 1.0)).astype(jnp.float32)
    heavy = (rain_spatial_true >= 50.0).astype(jnp.float32)
    w = gate * (1.0 + 3.0 * heavy)
    d = rain_logit / rain_log_std - rain_log_true / rain_log_std
    ad = jnp.abs(d)
    huber = jnp.where(ad < 1.0, 0.5 * d * d, ad - 0.5)
    reg = jnp.sum(huber * w) / jnp.clip(jnp.sum(w), 1.0)
    norm_t = jnp.nan_to_num((phys_targets - phys_mu[None, :]) / (phys_std[None, :] + 1e-06), nan=0.0)
    aux = jnp.mean((pred_phys - norm_t) ** 2)
    total = fl + CFG["tversky_weight"] * tv + CFG["regression_weight"] * reg + CFG["aux_loss_weight"] * aux
    return (total, fl, tv, reg, aux)

if __name__ == "__main__":
    import jax
    _d = setup_inputs()
    print(jax.jit(kernel)(*tuple(_d.values())))

</pallas_src>

<mosaic_0001>
#map = affine_map<(d0, d1) -> (0, 0, 0)>
#map1 = affine_map<(d0, d1) -> (0)>
module attributes {stable_mosaic.version = 14 : i64} {
  func.func @sc_huber(%arg0: i32, %arg1: i32, %arg2: memref<16x512x512xf32, #tpu.memory_space<hbm>>, %arg3: memref<16x512x512xf32, #tpu.memory_space<hbm>>, %arg4: memref<16x512x512xf32, #tpu.memory_space<hbm>>, %arg5: memref<1024xf32, #tpu.memory_space<hbm>>, %arg6: memref<32x512xf32, #tpu.memory_space<vmem>>, %arg7: memref<32x512xf32, #tpu.memory_space<vmem>>, %arg8: memref<32x512xf32, #tpu.memory_space<vmem>>, %arg9: memref<32xf32, #tpu.memory_space<vmem>>) attributes {dimension_semantics = [#tpu.dimension_semantics<core_parallel>, #tpu.dimension_semantics<subcore_parallel>], iteration_bounds = array<i64: 2, 16>, scalar_prefetch = 0 : i64, scratch_operands = 4 : i64, tpu.core_type = #tpu.core_type<sc_vector_subcore>, window_params = [{transform_indices = #map}, {transform_indices = #map}, {transform_indices = #map}, {transform_indices = #map1}]} {
    %mul3A = arith.constant 2 : i32
    %mul3A_0 = arith.muli %arg1, %mul3A : i32
    %add3A = arith.addi %mul3A_0, %arg0 : i32
    %jit3A = arith.constant 16 : i32
    %div3A = arith.divsi %add3A, %jit3A : i32
    %sign3A = arith.constant 0 : i32
    %sign3A_1 = arith.cmpi sgt, %add3A, %sign3A : i32
    %sign3A_2 = arith.extui %sign3A_1 : i1 to i32
    %sign3A_3 = arith.constant 0 : i32
    %sign3A_4 = arith.cmpi slt, %add3A, %sign3A_3 : i32
    %sign3A_5 = arith.extui %sign3A_4 : i1 to i32
    %sign3A_6 = arith.subi %sign3A_2, %sign3A_5 : i32
    %sign3A_7 = arith.constant 0 : i32
    %sign3A_8 = arith.cmpi sgt, %jit3A, %sign3A_7 : i32
    %sign3A_9 = arith.extui %sign3A_8 : i1 to i32
    %sign3A_10 = arith.constant 0 : i32
    %sign3A_11 = arith.cmpi slt, %jit3A, %sign3A_10 : i32
    %sign3A_12 = arith.extui %sign3A_11 : i1 to i32
    %sign3A_13 = arith.subi %sign3A_9, %sign3A_12 : i32
    %ne3A = arith.cmpi ne, %sign3A_6, %sign3A_13 : i32
    %rem3A = arith.remsi %add3A, %jit3A : i32
    %ne3A_14 = arith.constant 0 : i32
    %ne3A_15 = arith.cmpi ne, %rem3A, %ne3A_14 : i32
    %and3A = arith.andi %ne3A, %ne3A_15 : i1
    %sub3A = arith.constant 1 : i32
    %sub3A_16 = arith.subi %div3A, %sub3A : i32
    %select_n3A = arith.select %and3A, %sub3A_16, %div3A : i32
    %jit3A_17 = arith.constant 16 : i32
    %eq3A = arith.constant 0 : i32
    %eq3A_18 = arith.cmpi eq, %jit3A_17, %eq3A : i32
    %jit3A_19 = arith.constant 1 : i32
    %select_n3A_20 = arith.select %eq3A_18, %jit3A_19, %jit3A_17 : i32
    %rem3A_21 = arith.remsi %add3A, %select_n3A_20 : i32
    %ne3A_22 = arith.constant 0 : i32
    %ne3A_23 = arith.cmpi ne, %rem3A_21, %ne3A_22 : i32
    %lt3A = arith.constant 0 : i32
    %lt3A_24 = arith.cmpi slt, %rem3A_21, %lt3A : i32
    %lt3A_25 = arith.constant 0 : i32
    %lt3A_26 = arith.cmpi slt, %select_n3A_20, %lt3A_25 : i32
    %ne3A_27 = arith.xori %lt3A_24, %lt3A_26 : i1
    %and3A_28 = arith.andi %ne3A_27, %ne3A_23 : i1
    %add3A_29 = arith.addi %rem3A_21, %select_n3A_20 : i32
    %select_n3A_30 = arith.select %and3A_28, %add3A_29, %rem3A_21 : i32
    %mul3A_31 = arith.constant 32 : i32
    %mul3A_32 = arith.muli %select_n3A_30, %mul3A_31 : i32
    %broadcast_in_dim3A = arith.constant 0.000000e+00 : f32
    %broadcast_in_dim3A_33 = vector.broadcast %broadcast_in_dim3A : f32 to vector<16xf32>
    %broadcast_in_dim3A_34 = arith.constant 0.000000e+00 : f32
    %broadcast_in_dim3A_35 = vector.broadcast %broadcast_in_dim3A_34 : f32 to vector<16xf32>
    %add3A_36 = arith.constant 0 : i32
    %add3A_37 = arith.addi %mul3A_32, %add3A_36 : i32
    "tpu.region"() ({
      %run_scoped3A = tpu.sem_alloc : memref<!tpu.dma_semaphore, #tpu.memory_space<semaphore_mem>>
      %dma_start3A = arith.constant 0 : i32
      %dma_start3A_52 = tpu.memref_slice %arg2[%select_n3A, %add3A_37, %dma_start3A] : memref<16x512x512xf32, #tpu.memory_space<hbm>> -> memref<1x32x512xf32, #tpu.memory_space<hbm>>
      %dma_start3A_53 = tpu.memref_squeeze %dma_start3A_52 : memref<1x32x512xf32, #tpu.memory_space<hbm>> -> memref<32x512xf32, #tpu.memory_space<hbm>>
      %dma_start3A_54 = arith.constant 0 : i32
      %dma_start3A_55 = tpu.memref_slice %arg2[%select_n3A, %add3A_37, %dma_start3A_54] : memref<16x512x512xf32, #tpu.memory_space<hbm>> -> memref<1x32x512xf32, #tpu.memory_space<hbm>>
      %dma_start3A_56 = tpu.memref_squeeze %dma_start3A_55 : memref<1x32x512xf32, #tpu.memory_space<hbm>> -> memref<32x512xf32, #tpu.memory_space<hbm>>
      tpu.enqueue_dma source(%dma_start3A_56 : memref<32x512xf32, #tpu.memory_space<hbm>>) target(%arg6 : memref<32x512xf32, #tpu.memory_space<vmem>>) target_semaphore(%run_scoped3A : memref<!tpu.dma_semaphore, #tpu.memory_space<semaphore_mem>>)
      %dma_wait3A = arith.constant 0 : i32
      %dma_wait3A_57 = tpu.memref_slice %arg2[%select_n3A, %add3A_37, %dma_wait3A] : memref<16x512x512xf32, #tpu.memory_space<hbm>> -> memref<1x32x512xf32, #tpu.memory_space<hbm>>
      %dma_wait3A_58 = tpu.memref_squeeze %dma_wait3A_57 : memref<1x32x512xf32, #tpu.memory_space<hbm>> -> memref<32x512xf32, #tpu.memory_space<hbm>>
      %dma_wait3A_59 = arith.constant 0 : i32
      %dma_wait3A_60 = tpu.memref_slice %arg2[%select_n3A, %add3A_37, %dma_wait3A_59] : memref<16x512x512xf32, #tpu.memory_space<hbm>> -> memref<1x32x512xf32, #tpu.memory_space<hbm>>
      %dma_wait3A_61 = tpu.memref_squeeze %dma_wait3A_60 : memref<1x32x512xf32, #tpu.memory_space<hbm>> -> memref<32x512xf32, #tpu.memory_space<hbm>>
      tpu.wait_dma2 semaphore(%run_scoped3A : memref<!tpu.dma_semaphore, #tpu.memory_space<semaphore_mem>>) src(%dma_wait3A_61 : memref<32x512xf32, #tpu.memory_space<hbm>>) dst(%arg6 : memref<32x512xf32, #tpu.memory_space<vmem>>)
      tpu.yield
    }) : () -> ()
    "tpu.region"() ({
      %run_scoped3A = tpu.sem_alloc : memref<!tpu.dma_semaphore, #tpu.memory_space<semaphore_mem>>
      %dma_start3A = arith.constant 0 : i32
      %dma_start3A_52 = tpu.memref_slice %arg3[%select_n3A, %add3A_37, %dma_start3A] : memref<16x512x512xf32, #tpu.memory_space<hbm>> -> memref<1x32x512xf32, #tpu.memory_space<hbm>>
      %dma_start3A_53 = tpu.memref_squeeze %dma_start3A_52 : memref<1x32x512xf32, #tpu.memory_space<hbm>> -> memref<32x512xf32, #tpu.memory_space<hbm>>
      %dma_start3A_54 = arith.constant 0 : i32
      %dma_start3A_55 = tpu.memref_slice %arg3[%select_n3A, %add3A_37, %dma_start3A_54] : memref<16x512x512xf32, #tpu.memory_space<hbm>> -> memref<1x32x512xf32, #tpu.memory_space<hbm>>
      %dma_start3A_56 = tpu.memref_squeeze %dma_start3A_55 : memref<1x32x512xf32, #tpu.memory_space<hbm>> -> memref<32x512xf32, #tpu.memory_space<hbm>>
      tpu.enqueue_dma source(%dma_start3A_56 : memref<32x512xf32, #tpu.memory_space<hbm>>) target(%arg7 : memref<32x512xf32, #tpu.memory_space<vmem>>) target_semaphore(%run_scoped3A : memref<!tpu.dma_semaphore, #tpu.memory_space<semaphore_mem>>)
      %dma_wait3A = arith.constant 0 : i32
      %dma_wait3A_57 = tpu.memref_slice %arg3[%select_n3A, %add3A_37, %dma_wait3A] : memref<16x512x512xf32, #tpu.memory_space<hbm>> -> memref<1x32x512xf32, #tpu.memory_space<hbm>>
      %dma_wait3A_58 = tpu.memref_squeeze %dma_wait3A_57 : memref<1x32x512xf32, #tpu.memory_space<hbm>> -> memref<32x512xf32, #tpu.memory_space<hbm>>
      %dma_wait3A_59 = arith.constant 0 : i32
      %dma_wait3A_60 = tpu.memref_slice %arg3[%select_n3A, %add3A_37, %dma_wait3A_59] : memref<16x512x512xf32, #tpu.memory_space<hbm>> -> memref<1x32x512xf32, #tpu.memory_space<hbm>>
      %dma_wait3A_61 = tpu.memref_squeeze %dma_wait3A_60 : memref<1x32x512xf32, #tpu.memory_space<hbm>> -> memref<32x512xf32, #tpu.memory_space<hbm>>
      tpu.wait_dma2 semaphore(%run_scoped3A : memref<!tpu.dma_semaphore, #tpu.memory_space<semaphore_mem>>) src(%dma_wait3A_61 : memref<32x512xf32, #tpu.memory_space<hbm>>) dst(%arg7 : memref<32x512xf32, #tpu.memory_space<vmem>>)
      tpu.yield
    }) : () -> ()
    "tpu.region"() ({
      %run_scoped3A = tpu.sem_alloc : memref<!tpu.dma_semaphore, #tpu.memory_space<semaphore_mem>>
      %dma_start3A = arith.constant 0 : i32
      %dma_start3A_52 = tpu.memref_slice %arg4[%select_n3A, %add3A_37, %dma_start3A] : memref<16x512x512xf32, #tpu.memory_space<hbm>> -> memref<1x32x512xf32, #tpu.memory_space<hbm>>
      %dma_start3A_53 = tpu.memref_squeeze %dma_start3A_52 : memref<1x32x512xf32, #tpu.memory_space<hbm>> -> memref<32x512xf32, #tpu.memory_space<hbm>>
      %dma_start3A_54 = arith.constant 0 : i32
      %dma_start3A_55 = tpu.memref_slice %arg4[%select_n3A, %add3A_37, %dma_start3A_54] : memref<16x512x512xf32, #tpu.memory_space<hbm>> -> memref<1x32x512xf32, #tpu.memory_space<hbm>>
      %dma_start3A_56 = tpu.memref_squeeze %dma_start3A_55 : memref<1x32x512xf32, #tpu.memory_space<hbm>> -> memref<32x512xf32, #tpu.memory_space<hbm>>
      tpu.enqueue_dma source(%dma_start3A_56 : memref<32x512xf32, #tpu.memory_space<hbm>>) target(%arg8 : memref<32x512xf32, #tpu.memory_space<vmem>>) target_semaphore(%run_scoped3A : memref<!tpu.dma_semaphore, #tpu.memory_space<semaphore_mem>>)
      %dma_wait3A = arith.constant 0 : i32
      %dma_wait3A_57 = tpu.memref_slice %arg4[%select_n3A, %add3A_37, %dma_wait3A] : memref<16x512x512xf32, #tpu.memory_space<hbm>> -> memref<1x32x512xf32, #tpu.memory_space<hbm>>
      %dma_wait3A_58 = tpu.memref_squeeze %dma_wait3A_57 : memref<1x32x512xf32, #tpu.memory_space<hbm>> -> memref<32x512xf32, #tpu.memory_space<hbm>>
      %dma_wait3A_59 = arith.constant 0 : i32
      %dma_wait3A_60 = tpu.memref_slice %arg4[%select_n3A, %add3A_37, %dma_wait3A_59] : memref<16x512x512xf32, #tpu.memory_space<hbm>> -> memref<1x32x512xf32, #tpu.memory_space<hbm>>
      %dma_wait3A_61 = tpu.memref_squeeze %dma_wait3A_60 : memref<1x32x512xf32, #tpu.memory_space<hbm>> -> memref<32x512xf32, #tpu.memory_space<hbm>>
      tpu.wait_dma2 semaphore(%run_scoped3A : memref<!tpu.dma_semaphore, #tpu.memory_space<semaphore_mem>>) src(%dma_wait3A_61 : memref<32x512xf32, #tpu.memory_space<hbm>>) dst(%arg8 : memref<32x512xf32, #tpu.memory_space<vmem>>)
      tpu.yield
    }) : () -> ()
    %scan3A = arith.constant 0 : i32
    %scan3A_38 = arith.constant 1024 : i32
    %scan3A_39 = arith.addi %scan3A, %scan3A_38 : i32
    %scan3A_40 = arith.constant 1 : i32
    %scan3A_41:2 = scf.for %scan3A_52 = %scan3A to %scan3A_39 step %scan3A_40 iter_args(%scan3A_53 = %broadcast_in_dim3A_33, %scan3A_54 = %broadcast_in_dim3A_35) -> (vector<16xf32>, vector<16xf32>)  : i32 {
      %jit3A_55 = arith.constant 32 : i32
      %div3A_56 = arith.divsi %scan3A_52, %jit3A_55 : i32
      %sign3A_57 = arith.constant 0 : i32
      %sign3A_58 = arith.cmpi sgt, %scan3A_52, %sign3A_57 : i32
      %sign3A_59 = arith.extui %sign3A_58 : i1 to i32
      %sign3A_60 = arith.constant 0 : i32
      %sign3A_61 = arith.cmpi slt, %scan3A_52, %sign3A_60 : i32
      %sign3A_62 = arith.extui %sign3A_61 : i1 to i32
      %sign3A_63 = arith.subi %sign3A_59, %sign3A_62 : i32
      %sign3A_64 = arith.constant 0 : i32
      %sign3A_65 = arith.cmpi sgt, %jit3A_55, %sign3A_64 : i32
      %sign3A_66 = arith.extui %sign3A_65 : i1 to i32
      %sign3A_67 = arith.constant 0 : i32
      %sign3A_68 = arith.cmpi slt, %jit3A_55, %sign3A_67 : i32
      %sign3A_69 = arith.extui %sign3A_68 : i1 to i32
      %sign3A_70 = arith.subi %sign3A_66, %sign3A_69 : i32
      %ne3A_71 = arith.cmpi ne, %sign3A_63, %sign3A_70 : i32
      %rem3A_72 = arith.remsi %scan3A_52, %jit3A_55 : i32
      %ne3A_73 = arith.constant 0 : i32
      %ne3A_74 = arith.cmpi ne, %rem3A_72, %ne3A_73 : i32
      %and3A_75 = arith.andi %ne3A_71, %ne3A_74 : i1
      %sub3A_76 = arith.constant 1 : i32
      %sub3A_77 = arith.subi %div3A_56, %sub3A_76 : i32
      %select_n3A_78 = arith.select %and3A_75, %sub3A_77, %div3A_56 : i32
      %jit3A_79 = arith.constant 32 : i32
      %eq3A_80 = arith.constant 0 : i32
      %eq3A_81 = arith.cmpi eq, %jit3A_79, %eq3A_80 : i32
      %jit3A_82 = arith.constant 1 : i32
      %select_n3A_83 = arith.select %eq3A_81, %jit3A_82, %jit3A_79 : i32
      %rem3A_84 = arith.remsi %scan3A_52, %select_n3A_83 : i32
      %ne3A_85 = arith.constant 0 : i32
      %ne3A_86 = arith.cmpi ne, %rem3A_84, %ne3A_85 : i32
      %lt3A_87 = arith.constant 0 : i32
      %lt3A_88 = arith.cmpi slt, %rem3A_84, %lt3A_87 : i32
      %lt3A_89 = arith.constant 0 : i32
      %lt3A_90 = arith.cmpi slt, %select_n3A_83, %lt3A_89 : i32
      %ne3A_91 = arith.xori %lt3A_88, %lt3A_90 : i1
      %and3A_92 = arith.andi %ne3A_91, %ne3A_86 : i1
      %add3A_93 = arith.addi %rem3A_84, %select_n3A_83 : i32
      %select_n3A_94 = arith.select %and3A_92, %add3A_93, %rem3A_84 : i32
      %mul3A_95 = arith.constant 16 : i32
      %mul3A_96 = arith.muli %select_n3A_94, %mul3A_95 : i32
      %get3A = arith.index_cast %select_n3A_78 : i32 to index
      %get3A_97 = arith.index_cast %mul3A_96 : i32 to index
      %get3A_98 = tpu.vector_load %arg6[%get3A, %get3A_97] {strides = array<i32>} : memref<32x512xf32, #tpu.memory_space<vmem>>, vector<1x16xf32>,
      %get3A_99 = vector.shape_cast %get3A_98 : vector<1x16xf32> to vector<16xf32>
      %get3A_100 = arith.index_cast %select_n3A_78 : i32 to index
      %get3A_101 = arith.index_cast %mul3A_96 : i32 to index
      %get3A_102 = tpu.vector_load %arg7[%get3A_100, %get3A_101] {strides = array<i32>} : memref<32x512xf32, #tpu.memory_space<vmem>>, vector<1x16xf32>,
      %get3A_103 = vector.shape_cast %get3A_102 : vector<1x16xf32> to vector<16xf32>
      %get3A_104 = arith.index_cast %select_n3A_78 : i32 to index
      %get3A_105 = arith.index_cast %mul3A_96 : i32 to index
      %get3A_106 = tpu.vector_load %arg8[%get3A_104, %get3A_105] {strides = array<i32>} : memref<32x512xf32, #tpu.memory_space<vmem>>, vector<1x16xf32>,
      %get3A_107 = vector.shape_cast %get3A_106 : vector<1x16xf32> to vector<16xf32>
      %max3A = arith.constant 0.000000e+00 : f32
      %max3A_108 = vector.broadcast %max3A : f32 to vector<16xf32>
      %max3A_109 = arith.maximumf %get3A_107, %max3A_108 : vector<16xf32>
      %add3A_110 = arith.constant 1.000000e+00 : f32
      %add3A_111 = vector.broadcast %add3A_110 : f32 to vector<16xf32>
      %add3A_112 = arith.addf %add3A_111, %max3A_109 : vector<16xf32>
      %bitcast_convert_type3A = tpu.bitcast %add3A_112 : vector<16xf32> -> vector<16xi32>
      %shift_right_arithmetic3A = arith.constant 23 : i32
      %shift_right_arithmetic3A_113 = vector.broadcast %shift_right_arithmetic3A : i32 to vector<16xi32>
      %shift_right_arithmetic3A_114 = arith.shrsi %bitcast_convert_type3A, %shift_right_arithmetic3A_113 : vector<16xi32>
      %sub3A_115 = arith.constant 127 : i32
      %sub3A_116 = vector.broadcast %sub3A_115 : i32 to vector<16xi32>
      %sub3A_117 = arith.subi %shift_right_arithmetic3A_114, %sub3A_116 : vector<16xi32>
      %and3A_118 = arith.constant 8388607 : i32
      %and3A_119 = vector.broadcast %and3A_118 : i32 to vector<16xi32>
      %and3A_120 = arith.andi %bitcast_convert_type3A, %and3A_119 : vector<16xi32>
      %or3A = arith.constant 1065353216 : i32
      %or3A_121 = vector.broadcast %or3A : i32 to vector<16xi32>
      %or3A_122 = arith.ori %and3A_120, %or3A_121 : vector<16xi32>
      %bitcast_convert_type3A_123 = tpu.bitcast %or3A_122 : vector<16xi32> -> vector<16xf32>
      %gt3A = arith.constant 1.41421354 : f32
      %gt3A_124 = vector.broadcast %gt3A : f32 to vector<16xf32>
      %gt3A_125 = arith.cmpf ogt, %bitcast_convert_type3A_123, %gt3A_124 : vector<16xf32>
      %mul3A_126 = arith.constant 5.000000e-01 : f32
      %mul3A_127 = vector.broadcast %mul3A_126 : f32 to vector<16xf32>
      %mul3A_128 = arith.mulf %bitcast_convert_type3A_123, %mul3A_127 : vector<16xf32>
      %select_n3A_129 = arith.select %gt3A_125, %mul3A_128, %bitcast_convert_type3A_123 : vector<16xi1>, vector<16xf32>
      %jit3A_130 = arith.constant 1 : i32
      %jit3A_131 = arith.constant 0 : i32
      %broadcast_in_dim3A_132 = vector.broadcast %jit3A_130 : i32 to vector<16xi32>
      %broadcast_in_dim3A_133 = vector.broadcast %jit3A_131 : i32 to vector<16xi32>
      %select_n3A_134 = arith.select %gt3A_125, %broadcast_in_dim3A_132, %broadcast_in_dim3A_133 : vector<16xi1>, vector<16xi32>
      %add3A_135 = arith.addi %sub3A_117, %select_n3A_134 : vector<16xi32>
      %sub3A_136 = arith.constant 1.000000e+00 : f32
      %sub3A_137 = vector.broadcast %sub3A_136 : f32 to vector<16xf32>
      %sub3A_138 = arith.subf %select_n3A_129, %sub3A_137 : vector<16xf32>
      %mul3A_139 = arith.constant 0.0703768358 : f32
      %mul3A_140 = vector.broadcast %mul3A_139 : f32 to vector<16xf32>
      %mul3A_141 = arith.mulf %mul3A_140, %sub3A_138 : vector<16xf32>
      %add3A_142 = arith.constant -0.115146101 : f32
      %add3A_143 = vector.broadcast %add3A_142 : f32 to vector<16xf32>
      %add3A_144 = arith.addf %mul3A_141, %add3A_143 : vector<16xf32>
      %mul3A_145 = arith.mulf %add3A_144, %sub3A_138 : vector<16xf32>
      %add3A_146 = arith.constant 0.116769984 : f32
      %add3A_147 = vector.broadcast %add3A_146 : f32 to vector<16xf32>
      %add3A_148 = arith.addf %mul3A_145, %add3A_147 : vector<16xf32>
      %mul3A_149 = arith.mulf %add3A_148, %sub3A_138 : vector<16xf32>
      %add3A_150 = arith.constant -0.12420141 : f32
      %add3A_151 = vector.broadcast %add3A_150 : f32 to vector<16xf32>
      %add3A_152 = arith.addf %mul3A_149, %add3A_151 : vector<16xf32>
      %mul3A_153 = arith.mulf %add3A_152, %sub3A_138 : vector<16xf32>
      %add3A_154 = arith.constant 0.142493233 : f32
      %add3A_155 = vector.broadcast %add3A_154 : f32 to vector<16xf32>
      %add3A_156 = arith.addf %mul3A_153, %add3A_155 : vector<16xf32>
      %mul3A_157 = arith.mulf %add3A_156, %sub3A_138 : vector<16xf32>
      %add3A_158 = arith.constant -0.166680574 : f32
      %add3A_159 = vector.broadcast %add3A_158 : f32 to vector<16xf32>
      %add3A_160 = arith.addf %mul3A_157, %add3A_159 : vector<16xf32>
      %mul3A_161 = arith.mulf %add3A_160, %sub3A_138 : vector<16xf32>
      %add3A_162 = arith.constant 0.200007141 : f32
      %add3A_163 = vector.broadcast %add3A_162 : f32 to vector<16xf32>
      %add3A_164 = arith.addf %mul3A_161, %add3A_163 : vector<16xf32>
      %mul3A_165 = arith.mulf %add3A_164, %sub3A_138 : vector<16xf32>
      %add3A_166 = arith.constant -0.24999994 : f32
      %add3A_167 = vector.broadcast %add3A_166 : f32 to vector<16xf32>
      %add3A_168 = arith.addf %mul3A_165, %add3A_167 : vector<16xf32>
      %mul3A_169 = arith.mulf %add3A_168, %sub3A_138 : vector<16xf32>
      %add3A_170 = arith.constant 0.333333313 : f32
      %add3A_171 = vector.broadcast %add3A_170 : f32 to vector<16xf32>
      %add3A_172 = arith.addf %mul3A_169, %add3A_171 : vector<16xf32>
      %mul3A_173 = arith.mulf %sub3A_138, %sub3A_138 : vector<16xf32>
      %mul3A_174 = arith.constant 5.000000e-01 : f32
      %mul3A_175 = vector.broadcast %mul3A_174 : f32 to vector<16xf32>
      %mul3A_176 = arith.mulf %mul3A_175, %mul3A_173 : vector<16xf32>
      %sub3A_177 = arith.subf %sub3A_138, %mul3A_176 : vector<16xf32>
      %mul3A_178 = arith.mulf %sub3A_138, %mul3A_173 : vector<16xf32>
      %mul3A_179 = arith.mulf %mul3A_178, %add3A_172 : vector<16xf32>
      %add3A_180 = arith.addf %sub3A_177, %mul3A_179 : vector<16xf32>
      %convert_element_type3A = arith.sitofp %add3A_135 : vector<16xi32> to vector<16xf32>
      %mul3A_181 = arith.constant 0.693147182 : f32
      %mul3A_182 = vector.broadcast %mul3A_181 : f32 to vector<16xf32>
      %mul3A_183 = arith.mulf %convert_element_type3A, %mul3A_182 : vector<16xf32>
      %add3A_184 = arith.addf %add3A_180, %mul3A_183 : vector<16xf32>
      %gt3A_185 = arith.constant 1.000000e-01 : f32
      %gt3A_186 = vector.broadcast %gt3A_185 : f32 to vector<16xf32>
      %gt3A_187 = arith.cmpf ogt, %get3A_99, %gt3A_186 : vector<16xf32>
      %gt3A_188 = arith.constant 1.000000e+00 : f32
      %gt3A_189 = vector.broadcast %gt3A_188 : f32 to vector<16xf32>
      %gt3A_190 = arith.cmpf ogt, %get3A_107, %gt3A_189 : vector<16xf32>
      %or3A_191 = arith.ori %gt3A_187, %gt3A_190 : vector<16xi1>
      %jit3A_192 = arith.constant 1.000000e+00 : f32
      %jit3A_193 = arith.constant 0.000000e+00 : f32
      %broadcast_in_dim3A_194 = vector.broadcast %jit3A_192 : f32 to vector<16xf32>
      %broadcast_in_dim3A_195 = vector.broadcast %jit3A_193 : f32 to vector<16xf32>
      %select_n3A_196 = arith.select %or3A_191, %broadcast_in_dim3A_194, %broadcast_in_dim3A_195 : vector<16xi1>, vector<16xf32>
      %ge3A = arith.constant 5.000000e+01 : f32
      %ge3A_197 = vector.broadcast %ge3A : f32 to vector<16xf32>
      %ge3A_198 = arith.cmpf oge, %get3A_107, %ge3A_197 : vector<16xf32>
      %jit3A_199 = arith.constant 3.000000e+00 : f32
      %jit3A_200 = arith.constant 0.000000e+00 : f32
      %broadcast_in_dim3A_201 = vector.broadcast %jit3A_199 : f32 to vector<16xf32>
      %broadcast_in_dim3A_202 = vector.broadcast %jit3A_200 : f32 to vector<16xf32>
      %select_n3A_203 = arith.select %ge3A_198, %broadcast_in_dim3A_201, %broadcast_in_dim3A_202 : vector<16xi1>, vector<16xf32>
      %add3A_204 = arith.constant 1.000000e+00 : f32
      %add3A_205 = vector.broadcast %add3A_204 : f32 to vector<16xf32>
      %add3A_206 = arith.addf %add3A_205, %select_n3A_203 : vector<16xf32>
      %mul3A_207 = arith.mulf %select_n3A_196, %add3A_206 : vector<16xf32>
      %sub3A_208 = arith.subf %get3A_103, %add3A_184 : vector<16xf32>
      %abs3A = math.absf %sub3A_208 : vector<16xf32>
      %lt3A_209 = arith.constant 1.000000e+00 : f32
      %lt3A_210 = vector.broadcast %lt3A_209 : f32 to vector<16xf32>
      %lt3A_211 = arith.cmpf olt, %abs3A, %lt3A_210 : vector<16xf32>
      %mul3A_212 = arith.constant 5.000000e-01 : f32
      %mul3A_213 = vector.broadcast %mul3A_212 : f32 to vector<16xf32>
      %mul3A_214 = arith.mulf %mul3A_213, %sub3A_208 : vector<16xf32>
      %mul3A_215 = arith.mulf %mul3A_214, %sub3A_208 : vector<16xf32>
      %sub3A_216 = arith.constant 5.000000e-01 : f32
      %sub3A_217 = vector.broadcast %sub3A_216 : f32 to vector<16xf32>
      %sub3A_218 = arith.subf %abs3A, %sub3A_217 : vector<16xf32>
      %select_n3A_219 = arith.select %lt3A_211, %mul3A_215, %sub3A_218 : vector<16xi1>, vector<16xf32>
      %mul3A_220 = arith.mulf %select_n3A_219, %mul3A_207 : vector<16xf32>
      %add3A_221 = arith.addf %scan3A_53, %mul3A_220 : vector<16xf32>
      %add3A_222 = arith.addf %scan3A_54, %mul3A_207 : vector<16xf32>
      scf.yield %add3A_221, %add3A_222 : vector<16xf32>, vector<16xf32>
    }
    %scan3A_42 = arith.constant 1024 : i32
    %swap3A = arith.constant 0 : index
    %swap3A_43 = tpu.vector_load %arg9[%swap3A] {strides = array<i32>} : memref<32xf32, #tpu.memory_space<vmem>>, vector<16xf32>,
    %swap3A_44 = vector.shape_cast %swap3A_43 : vector<16xf32> to vector<16xf32>
    %swap3A_45 = vector.shape_cast %scan3A_41#0 : vector<16xf32> to vector<16xf32>
    tpu.vector_store %arg9[%swap3A], %swap3A_45 {strides = array<i32>} : memref<32xf32, #tpu.memory_space<vmem>>, vector<16xf32>,
    %swap3A_46 = arith.constant 16 : index
    %swap3A_47 = tpu.vector_load %arg9[%swap3A_46] {strides = array<i32>} : memref<32xf32, #tpu.memory_space<vmem>>, vector<16xf32>,
    %swap3A_48 = vector.shape_cast %swap3A_47 : vector<16xf32> to vector<16xf32>
    %swap3A_49 = vector.shape_cast %scan3A_41#1 : vector<16xf32> to vector<16xf32>
    tpu.vector_store %arg9[%swap3A_46], %swap3A_49 {strides = array<i32>} : memref<32xf32, #tpu.memory_space<vmem>>, vector<16xf32>,
    %mul3A_50 = arith.constant 32 : i32
    %mul3A_51 = arith.muli %add3A, %mul3A_50 : i32
    "tpu.region"() ({
      %run_scoped3A = tpu.sem_alloc : memref<!tpu.dma_semaphore, #tpu.memory_space<semaphore_mem>>
      %dma_start3A = tpu.memref_slice %arg5[%mul3A_51] : memref<1024xf32, #tpu.memory_space<hbm>> -> memref<32xf32, #tpu.memory_space<hbm>>
      %dma_start3A_52 = tpu.memref_slice %arg5[%mul3A_51] : memref<1024xf32, #tpu.memory_space<hbm>> -> memref<32xf32, #tpu.memory_space<hbm>>
      tpu.enqueue_dma source(%arg9 : memref<32xf32, #tpu.memory_space<vmem>>) target(%dma_start3A_52 : memref<32xf32, #tpu.memory_space<hbm>>) target_semaphore(%run_scoped3A : memref<!tpu.dma_semaphore, #tpu.memory_space<semaphore_mem>>)
      %dma_wait3A = tpu.memref_slice %arg5[%mul3A_51] : memref<1024xf32, #tpu.memory_space<hbm>> -> memref<32xf32, #tpu.memory_space<hbm>>
      %dma_wait3A_53 = tpu.memref_slice %arg5[%mul3A_51] : memref<1024xf32, #tpu.memory_space<hbm>> -> memref<32xf32, #tpu.memory_space<hbm>>
      tpu.wait_dma2 semaphore(%run_scoped3A : memref<!tpu.dma_semaphore, #tpu.memory_space<semaphore_mem>>) src(%arg9 : memref<32xf32, #tpu.memory_space<vmem>>) dst(%dma_wait3A_53 : memref<32xf32, #tpu.memory_space<hbm>>)
      tpu.yield
    }) : () -> ()
    return
  }
}

module attributes {stable_mosaic.version = 14 : i64} {
  func.func @_body(%arg0: i32, %arg1: memref<1x512x512xf32, #tpu.memory_space<vmem>>, %arg2: memref<1x512x512xf32, #tpu.memory_space<vmem>>, %arg3: memref<1x512x512xf32, #tpu.memory_space<vmem>>, %arg4: memref<1x512x512xf32, #tpu.memory_space<vmem>>, %arg5: memref<16x16xf32, #tpu.memory_space<vmem>>, %arg6: memref<16x16xf32, #tpu.memory_space<vmem>>, %arg7: memref<16x16xf32, #tpu.memory_space<vmem>>, %arg8: memref<16x16xf32, #tpu.memory_space<vmem>>, %arg9: memref<1x1x8xf32, #tpu.memory_space<smem>>) attributes {dimension_semantics = [#tpu.dimension_semantics<arbitrary>], iteration_bounds = array<i64: 16>, scalar_prefetch = 0 : i64, scratch_operands = 0 : i64, tpu.core_type = #tpu.core_type<tc>, window_params = [{transform_indices = @transform_0, window_bounds = array<i64: 1, 512, 512>}, {transform_indices = @transform_1, window_bounds = array<i64: 1, 512, 512>}, {transform_indices = @transform_2, window_bounds = array<i64: 1, 512, 512>}, {transform_indices = @transform_3, window_bounds = array<i64: 1, 512, 512>}, {pipeline_mode = #tpu.pipeline_mode<synchronous>, transform_indices = @transform_4, window_bounds = array<i64: 16, 16>}, {pipeline_mode = #tpu.pipeline_mode<synchronous>, transform_indices = @transform_5, window_bounds = array<i64: 16, 16>}, {pipeline_mode = #tpu.pipeline_mode<synchronous>, transform_indices = @transform_6, window_bounds = array<i64: 16, 16>}, {pipeline_mode = #tpu.pipeline_mode<synchronous>, transform_indices = @transform_7, window_bounds = array<i64: 16, 16>}, {transform_indices = @transform_8, window_bounds = array<i64: 1, 1, 8>}]} {
    %get3A = arith.constant 0 : index
    %get3A_0 = arith.constant 0 : index
    %get3A_1 = arith.constant 0 : index
    %get3A_2 = vector.load %arg1[%get3A, %get3A_0, %get3A_1] : memref<1x512x512xf32, #tpu.memory_space<vmem>>, vector<1x512x512xf32>
    %get3A_3 = vector.shape_cast %get3A_2 : vector<1x512x512xf32> to vector<512x512xf32>
    %get3A_4 = arith.constant 0 : index
    %get3A_5 = arith.constant 0 : index
    %get3A_6 = arith.constant 0 : index
    %get3A_7 = vector.load %arg2[%get3A_4, %get3A_5, %get3A_6] : memref<1x512x512xf32, #tpu.memory_space<vmem>>, vector<1x512x512xf32>
    %get3A_8 = vector.shape_cast %get3A_7 : vector<1x512x512xf32> to vector<512x512xf32>
    %jit3A = arith.constant 9.99999997E-7 : f32
    %jit3A_9 = arith.constant 0.999998986 : f32
    %max3A = vector.broadcast %jit3A : f32 to vector<512x512xf32>
    %max3A_10 = arith.maximumf %max3A, %get3A_3 : vector<512x512xf32>
    %min3A = vector.broadcast %jit3A_9 : f32 to vector<512x512xf32>
    %min3A_11 = arith.minimumf %min3A, %max3A_10 : vector<512x512xf32>
    %eq3A = arith.constant 1.000000e+00 : f32
    %eq3A_12 = vector.broadcast %eq3A : f32 to vector<512x512xf32>
    %eq3A_13 = arith.cmpf oeq, %get3A_8, %eq3A_12 : vector<512x512xf32>
    %sub3A = arith.constant 1.000000e+00 : f32
    %sub3A_14 = vector.broadcast %sub3A : f32 to vector<512x512xf32>
    %sub3A_15 = arith.subf %sub3A_14, %min3A_11 : vector<512x512xf32>
    %select_n3A = arith.select %eq3A_13, %min3A_11, %sub3A_15 : vector<512x512xi1>, vector<512x512xf32>
    %sub3A_16 = arith.constant 1.000000e+00 : f32
    %sub3A_17 = vector.broadcast %sub3A_16 : f32 to vector<512x512xf32>
    %sub3A_18 = arith.subf %sub3A_17, %select_n3A : vector<512x512xf32>
    %jit3A_19 = arith.constant 1.500000e+00 : f32
    %jit3A_20 = arith.constant 2.500000e-01 : f32
    %broadcast_in_dim3A = vector.broadcast %jit3A_19 : f32 to vector<512x512xf32>
    %broadcast_in_dim3A_21 = vector.broadcast %jit3A_20 : f32 to vector<512x512xf32>
    %select_n3A_22 = arith.select %eq3A_13, %broadcast_in_dim3A, %broadcast_in_dim3A_21 : vector<512x512xi1>, vector<512x512xf32>
    %mul3A = arith.mulf %select_n3A_22, %sub3A_18 : vector<512x512xf32>
    %mul3A_23 = arith.mulf %mul3A, %sub3A_18 : vector<512x512xf32>
    %neg3A = arith.constant 0.000000e+00 : f32
    %neg3A_24 = vector.broadcast %neg3A : f32 to vector<512x512xf32>
    %neg3A_25 = arith.subf %neg3A_24, %mul3A_23 : vector<512x512xf32>
    %log3A = math.log %select_n3A : vector<512x512xf32>
    %mul3A_26 = arith.mulf %neg3A_25, %log3A : vector<512x512xf32>
    %reduce_sum3A = arith.constant dense<0.000000e+00> : vector<512xf32>
    %reduce_sum3A_27 = vector.multi_reduction <add>, %get3A_8, %reduce_sum3A [0] : vector<512x512xf32> to vector<512xf32>
    %reduce_sum3A_28 = vector.shape_cast %reduce_sum3A_27 : vector<512xf32> to vector<1x512xf32>
    %reduce_sum3A_29 = arith.constant dense<0.000000e+00> : vector<1xf32>
    %reduce_sum3A_30 = vector.multi_reduction <add>, %reduce_sum3A_28, %reduce_sum3A_29 [1] : vector<1x512xf32> to vector<1xf32>
    %reduce_sum3A_31 = vector.shape_cast %reduce_sum3A_30 : vector<1xf32> to vector<1x1xf32>
    %reduce_sum3A_32 = vector.extract %reduce_sum3A_31[0, 0] : f32 from vector<1x1xf32>
    %mul3A_33 = arith.mulf %mul3A_26, %get3A_8 : vector<512x512xf32>
    %reduce_sum3A_34 = arith.constant dense<0.000000e+00> : vector<512xf32>
    %reduce_sum3A_35 = vector.multi_reduction <add>, %mul3A_33, %reduce_sum3A_34 [0] : vector<512x512xf32> to vector<512xf32>
    %reduce_sum3A_36 = vector.shape_cast %reduce_sum3A_35 : vector<512xf32> to vector<1x512xf32>
    %reduce_sum3A_37 = arith.constant dense<0.000000e+00> : vector<1xf32>
    %reduce_sum3A_38 = vector.multi_reduction <add>, %reduce_sum3A_36, %reduce_sum3A_37 [1] : vector<1x512xf32> to vector<1xf32>
    %reduce_sum3A_39 = vector.shape_cast %reduce_sum3A_38 : vector<1xf32> to vector<1x1xf32>
    %reduce_sum3A_40 = vector.extract %reduce_sum3A_39[0, 0] : f32 from vector<1x1xf32>
    %reduce_sum3A_41 = arith.constant dense<0.000000e+00> : vector<512xf32>
    %reduce_sum3A_42 = vector.multi_reduction <add>, %mul3A_26, %reduce_sum3A_41 [0] : vector<512x512xf32> to vector<512xf32>
    %reduce_sum3A_43 = vector.shape_cast %reduce_sum3A_42 : vector<512xf32> to vector<1x512xf32>
    %reduce_sum3A_44 = arith.constant dense<0.000000e+00> : vector<1xf32>
    %reduce_sum3A_45 = vector.multi_reduction <add>, %reduce_sum3A_43, %reduce_sum3A_44 [1] : vector<1x512xf32> to vector<1xf32>
    %reduce_sum3A_46 = vector.shape_cast %reduce_sum3A_45 : vector<1xf32> to vector<1x1xf32>
    %reduce_sum3A_47 = vector.extract %reduce_sum3A_46[0, 0] : f32 from vector<1x1xf32>
    %sub3A_48 = arith.subf %reduce_sum3A_47, %reduce_sum3A_40 : f32
    %mul3A_49 = arith.mulf %min3A_11, %get3A_8 : vector<512x512xf32>
    %reduce_sum3A_50 = arith.constant dense<0.000000e+00> : vector<512xf32>
    %reduce_sum3A_51 = vector.multi_reduction <add>, %mul3A_49, %reduce_sum3A_50 [0] : vector<512x512xf32> to vector<512xf32>
    %reduce_sum3A_52 = vector.shape_cast %reduce_sum3A_51 : vector<512xf32> to vector<1x512xf32>
    %reduce_sum3A_53 = arith.constant dense<0.000000e+00> : vector<1xf32>
    %reduce_sum3A_54 = vector.multi_reduction <add>, %reduce_sum3A_52, %reduce_sum3A_53 [1] : vector<1x512xf32> to vector<1xf32>
    %reduce_sum3A_55 = vector.shape_cast %reduce_sum3A_54 : vector<1xf32> to vector<1x1xf32>
    %reduce_sum3A_56 = vector.extract %reduce_sum3A_55[0, 0] : f32 from vector<1x1xf32>
    %reduce_sum3A_57 = arith.constant dense<0.000000e+00> : vector<512xf32>
    %reduce_sum3A_58 = vector.multi_reduction <add>, %min3A_11, %reduce_sum3A_57 [0] : vector<512x512xf32> to vector<512xf32>
    %reduce_sum3A_59 = vector.shape_cast %reduce_sum3A_58 : vector<512xf32> to vector<1x512xf32>
    %reduce_sum3A_60 = arith.constant dense<0.000000e+00> : vector<1xf32>
    %reduce_sum3A_61 = vector.multi_reduction <add>, %reduce_sum3A_59, %reduce_sum3A_60 [1] : vector<1x512xf32> to vector<1xf32>
    %reduce_sum3A_62 = vector.shape_cast %reduce_sum3A_61 : vector<1xf32> to vector<1x1xf32>
    %reduce_sum3A_63 = vector.extract %reduce_sum3A_62[0, 0] : f32 from vector<1x1xf32>
    %sub3A_64 = arith.subf %reduce_sum3A_63, %reduce_sum3A_56 : f32
    %sub3A_65 = arith.subf %reduce_sum3A_32, %reduce_sum3A_56 : f32
    %add3A = arith.constant 1.000000e+00 : f32
    %add3A_66 = arith.addf %reduce_sum3A_56, %add3A : f32
    %mul3A_67 = arith.constant 3.000000e-01 : f32
    %mul3A_68 = arith.mulf %mul3A_67, %sub3A_64 : f32
    %add3A_69 = arith.addf %reduce_sum3A_56, %mul3A_68 : f32
    %mul3A_70 = arith.constant 0.699999988 : f32
    %mul3A_71 = arith.mulf %mul3A_70, %sub3A_65 : f32
    %add3A_72 = arith.addf %add3A_69, %mul3A_71 : f32
    %add3A_73 = arith.constant 1.000000e+00 : f32
    %add3A_74 = arith.addf %add3A_72, %add3A_73 : f32
    %div3A = arith.divf %add3A_66, %add3A_74 : f32
    %sub3A_75 = arith.constant 1.000000e+00 : f32
    %sub3A_76 = arith.subf %sub3A_75, %div3A : f32
    %swap3A = arith.constant 0 : index
    %swap3A_77 = arith.constant 0 : index
    %swap3A_78 = arith.constant 0 : index
    %swap3A_79 = memref.load %arg9[%swap3A, %swap3A_77, %swap3A_78] : memref<1x1x8xf32, #tpu.memory_space<smem>>
    memref.store %reduce_sum3A_40, %arg9[%swap3A, %swap3A_77, %swap3A_78] : memref<1x1x8xf32, #tpu.memory_space<smem>>
    %swap3A_80 = arith.constant 0 : index
    %swap3A_81 = arith.constant 0 : index
    %swap3A_82 = arith.constant 1 : index
    %swap3A_83 = memref.load %arg9[%swap3A_80, %swap3A_81, %swap3A_82] : memref<1x1x8xf32, #tpu.memory_space<smem>>
    memref.store %sub3A_76, %arg9[%swap3A_80, %swap3A_81, %swap3A_82] : memref<1x1x8xf32, #tpu.memory_space<smem>>
    %swap3A_84 = arith.constant 0 : index
    %swap3A_85 = arith.constant 0 : index
    %swap3A_86 = arith.constant 5 : index
    %swap3A_87 = memref.load %arg9[%swap3A_84, %swap3A_85, %swap3A_86] : memref<1x1x8xf32, #tpu.memory_space<smem>>
    memref.store %reduce_sum3A_32, %arg9[%swap3A_84, %swap3A_85, %swap3A_86] : memref<1x1x8xf32, #tpu.memory_space<smem>>
    %swap3A_88 = arith.constant 0 : index
    %swap3A_89 = arith.constant 0 : index
    %swap3A_90 = arith.constant 6 : index
    %swap3A_91 = memref.load %arg9[%swap3A_88, %swap3A_89, %swap3A_90] : memref<1x1x8xf32, #tpu.memory_space<smem>>
    memref.store %sub3A_48, %arg9[%swap3A_88, %swap3A_89, %swap3A_90] : memref<1x1x8xf32, #tpu.memory_space<smem>>
    %ge3A = arith.constant 2 : i32
    %ge3A_92 = arith.cmpi sge, %arg0, %ge3A : i32
    %convert_element_type3A = arith.extui %ge3A_92 : i1 to i32
    %cond3A = arith.constant 0 : i32
    %cond3A_93 = arith.cmpi ne, %convert_element_type3A, %cond3A : i32
    scf.if %cond3A_93 {
      %get3A_107 = arith.constant 0 : index
      %get3A_108 = arith.constant 0 : index
      %get3A_109 = arith.constant 0 : index
      %get3A_110 = vector.load %arg4[%get3A_107, %get3A_108, %get3A_109] : memref<1x512x512xf32, #tpu.memory_space<vmem>>, vector<1x512x512xf32>
      %get3A_111 = vector.shape_cast %get3A_110 : vector<1x512x512xf32> to vector<512x512xf32>
      %max3A_112 = arith.constant 0.000000e+00 : f32
      %max3A_113 = vector.broadcast %max3A_112 : f32 to vector<512x512xf32>
      %max3A_114 = arith.maximumf %get3A_111, %max3A_113 : vector<512x512xf32>
      %add3A_115 = arith.constant 1.000000e+00 : f32
      %add3A_116 = vector.broadcast %add3A_115 : f32 to vector<512x512xf32>
      %add3A_117 = arith.addf %add3A_116, %max3A_114 : vector<512x512xf32>
      %log3A_118 = math.log %add3A_117 : vector<512x512xf32>
      %gt3A = arith.constant 1.000000e-01 : f32
      %gt3A_119 = vector.broadcast %gt3A : f32 to vector<512x512xf32>
      %gt3A_120 = arith.cmpf ogt, %get3A_3, %gt3A_119 : vector<512x512xf32>
      %gt3A_121 = arith.constant 1.000000e+00 : f32
      %gt3A_122 = vector.broadcast %gt3A_121 : f32 to vector<512x512xf32>
      %gt3A_123 = arith.cmpf ogt, %get3A_111, %gt3A_122 : vector<512x512xf32>
      %or3A = arith.ori %gt3A_120, %gt3A_123 : vector<512x512xi1>
      %convert_element_type3A_124 = arith.extui %or3A : vector<512x512xi1> to vector<512x512xi32>
      %convert_element_type3A_125 = arith.sitofp %convert_element_type3A_124 : vector<512x512xi32> to vector<512x512xf32>
      %ge3A_126 = arith.constant 5.000000e+01 : f32
      %ge3A_127 = vector.broadcast %ge3A_126 : f32 to vector<512x512xf32>
      %ge3A_128 = arith.cmpf oge, %get3A_111, %ge3A_127 : vector<512x512xf32>
      %convert_element_type3A_129 = arith.extui %ge3A_128 : vector<512x512xi1> to vector<512x512xi32>
      %convert_element_type3A_130 = arith.sitofp %convert_element_type3A_129 : vector<512x512xi32> to vector<512x512xf32>
      %mul3A_131 = arith.constant 3.000000e+00 : f32
      %mul3A_132 = vector.broadcast %mul3A_131 : f32 to vector<512x512xf32>
      %mul3A_133 = arith.mulf %mul3A_132, %convert_element_type3A_130 : vector<512x512xf32>
      %add3A_134 = arith.constant 1.000000e+00 : f32
      %add3A_135 = vector.broadcast %add3A_134 : f32 to vector<512x512xf32>
      %add3A_136 = arith.addf %add3A_135, %mul3A_133 : vector<512x512xf32>
      %mul3A_137 = arith.mulf %convert_element_type3A_125, %add3A_136 : vector<512x512xf32>
      %get3A_138 = arith.constant 0 : index
      %get3A_139 = arith.constant 0 : index
      %get3A_140 = arith.constant 0 : index
      %get3A_141 = vector.load %arg3[%get3A_138, %get3A_139, %get3A_140] : memref<1x512x512xf32, #tpu.memory_space<vmem>>, vector<1x512x512xf32>
      %get3A_142 = vector.shape_cast %get3A_141 : vector<1x512x512xf32> to vector<512x512xf32>
      %sub3A_143 = arith.subf %get3A_142, %log3A_118 : vector<512x512xf32>
      %abs3A = math.absf %sub3A_143 : vector<512x512xf32>
      %lt3A_144 = arith.constant 1.000000e+00 : f32
      %lt3A_145 = vector.broadcast %lt3A_144 : f32 to vector<512x512xf32>
      %lt3A_146 = arith.cmpf olt, %abs3A, %lt3A_145 : vector<512x512xf32>
      %mul3A_147 = arith.constant 5.000000e-01 : f32
      %mul3A_148 = vector.broadcast %mul3A_147 : f32 to vector<512x512xf32>
      %mul3A_149 = arith.mulf %mul3A_148, %sub3A_143 : vector<512x512xf32>
      %mul3A_150 = arith.mulf %mul3A_149, %sub3A_143 : vector<512x512xf32>
      %sub3A_151 = arith.constant 5.000000e-01 : f32
      %sub3A_152 = vector.broadcast %sub3A_151 : f32 to vector<512x512xf32>
      %sub3A_153 = arith.subf %abs3A, %sub3A_152 : vector<512x512xf32>
      %select_n3A_154 = arith.select %lt3A_146, %mul3A_150, %sub3A_153 : vector<512x512xi1>, vector<512x512xf32>
      %mul3A_155 = arith.mulf %select_n3A_154, %mul3A_137 : vector<512x512xf32>
      %reduce_sum3A_156 = arith.constant dense<0.000000e+00> : vector<512xf32>
      %reduce_sum3A_157 = vector.multi_reduction <add>, %mul3A_155, %reduce_sum3A_156 [0] : vector<512x512xf32> to vector<512xf32>
      %reduce_sum3A_158 = vector.shape_cast %reduce_sum3A_157 : vector<512xf32> to vector<1x512xf32>
      %reduce_sum3A_159 = arith.constant dense<0.000000e+00> : vector<1xf32>
      %reduce_sum3A_160 = vector.multi_reduction <add>, %reduce_sum3A_158, %reduce_sum3A_159 [1] : vector<1x512xf32> to vector<1xf32>
      %reduce_sum3A_161 = vector.shape_cast %reduce_sum3A_160 : vector<1xf32> to vector<1x1xf32>
      %reduce_sum3A_162 = vector.extract %reduce_sum3A_161[0, 0] : f32 from vector<1x1xf32>
      %swap3A_163 = arith.constant 0 : index
      %swap3A_164 = arith.constant 0 : index
      %swap3A_165 = arith.constant 2 : index
      %swap3A_166 = memref.load %arg9[%swap3A_163, %swap3A_164, %swap3A_165] : memref<1x1x8xf32, #tpu.memory_space<smem>>
      memref.store %reduce_sum3A_162, %arg9[%swap3A_163, %swap3A_164, %swap3A_165] : memref<1x1x8xf32, #tpu.memory_space<smem>>
      %reduce_sum3A_167 = arith.constant dense<0.000000e+00> : vector<512xf32>
      %reduce_sum3A_168 = vector.multi_reduction <add>, %mul3A_137, %reduce_sum3A_167 [0] : vector<512x512xf32> to vector<512xf32>
      %reduce_sum3A_169 = vector.shape_cast %reduce_sum3A_168 : vector<512xf32> to vector<1x512xf32>
      %reduce_sum3A_170 = arith.constant dense<0.000000e+00> : vector<1xf32>
      %reduce_sum3A_171 = vector.multi_reduction <add>, %reduce_sum3A_169, %reduce_sum3A_170 [1] : vector<1x512xf32> to vector<1xf32>
      %reduce_sum3A_172 = vector.shape_cast %reduce_sum3A_171 : vector<1xf32> to vector<1x1xf32>
      %reduce_sum3A_173 = vector.extract %reduce_sum3A_172[0, 0] : f32 from vector<1x1xf32>
      %swap3A_174 = arith.constant 0 : index
      %swap3A_175 = arith.constant 0 : index
      %swap3A_176 = arith.constant 3 : index
      %swap3A_177 = memref.load %arg9[%swap3A_174, %swap3A_175, %swap3A_176] : memref<1x1x8xf32, #tpu.memory_space<smem>>
      memref.store %reduce_sum3A_173, %arg9[%swap3A_174, %swap3A_175, %swap3A_176] : memref<1x1x8xf32, #tpu.memory_space<smem>>
    } else {
    }
    %lt3A = arith.constant 2 : i32
    %lt3A_94 = arith.cmpi slt, %arg0, %lt3A : i32
    %convert_element_type3A_95 = arith.extui %lt3A_94 : i1 to i32
    %cond3A_96 = arith.constant 0 : i32
    %cond3A_97 = arith.cmpi ne, %convert_element_type3A_95, %cond3A_96 : i32
    scf.if %cond3A_97 {
      %swap3A_107 = arith.constant 0.000000e+00 : f32
      %swap3A_108 = arith.constant 0 : index
      %swap3A_109 = arith.constant 0 : index
      %swap3A_110 = arith.constant 2 : index
      %swap3A_111 = memref.load %arg9[%swap3A_108, %swap3A_109, %swap3A_110] : memref<1x1x8xf32, #tpu.memory_space<smem>>
      memref.store %swap3A_107, %arg9[%swap3A_108, %swap3A_109, %swap3A_110] : memref<1x1x8xf32, #tpu.memory_space<smem>>
      %swap3A_112 = arith.constant 0.000000e+00 : f32
      %swap3A_113 = arith.constant 0 : index
      %swap3A_114 = arith.constant 0 : index
      %swap3A_115 = arith.constant 3 : index
      %swap3A_116 = memref.load %arg9[%swap3A_113, %swap3A_114, %swap3A_115] : memref<1x1x8xf32, #tpu.memory_space<smem>>
      memref.store %swap3A_112, %arg9[%swap3A_113, %swap3A_114, %swap3A_115] : memref<1x1x8xf32, #tpu.memory_space<smem>>
    } else {
    }
    %eq3A_98 = arith.constant 0 : i32
    %eq3A_99 = arith.cmpi eq, %arg0, %eq3A_98 : i32
    %convert_element_type3A_100 = arith.extui %eq3A_99 : i1 to i32
    %cond3A_101 = arith.constant 0 : i32
    %cond3A_102 = arith.cmpi ne, %convert_element_type3A_100, %cond3A_101 : i32
    scf.if %cond3A_102 {
      %get3A_107 = arith.constant 0 : index
      %get3A_108 = arith.constant 0 : index
      %get3A_109 = vector.load %arg6[%get3A_107, %get3A_108] : memref<16x16xf32, #tpu.memory_space<vmem>>, vector<16x16xf32>
      %get3A_110 = arith.constant 0 : index
      %get3A_111 = arith.constant 0 : index
      %get3A_112 = vector.load %arg7[%get3A_110, %get3A_111] : memref<16x16xf32, #tpu.memory_space<vmem>>, vector<16x16xf32>
      %sub3A_113 = arith.subf %get3A_109, %get3A_112 : vector<16x16xf32>
      %get3A_114 = arith.constant 0 : index
      %get3A_115 = arith.constant 0 : index
      %get3A_116 = vector.load %arg8[%get3A_114, %get3A_115] : memref<16x16xf32, #tpu.memory_space<vmem>>, vector<16x16xf32>
      %add3A_117 = arith.constant 9.99999997E-7 : f32
      %add3A_118 = vector.broadcast %add3A_117 : f32 to vector<16x16xf32>
      %add3A_119 = arith.addf %get3A_116, %add3A_118 : vector<16x16xf32>
      %div3A_120 = arith.divf %sub3A_113, %add3A_119 : vector<16x16xf32>
      %ne3A_121 = arith.cmpf one, %div3A_120, %div3A_120 : vector<16x16xf32>
      %jit3A_122 = arith.constant 0.000000e+00 : f32
      %broadcast_in_dim3A_123 = vector.broadcast %jit3A_122 : f32 to vector<16x16xf32>
      %select_n3A_124 = arith.select %ne3A_121, %broadcast_in_dim3A_123, %div3A_120 : vector<16x16xi1>, vector<16x16xf32>
      %get3A_125 = arith.constant 0 : index
      %get3A_126 = arith.constant 0 : index
      %get3A_127 = vector.load %arg5[%get3A_125, %get3A_126] : memref<16x16xf32, #tpu.memory_space<vmem>>, vector<16x16xf32>
      %sub3A_128 = arith.subf %get3A_127, %select_n3A_124 : vector<16x16xf32>
      %integer_pow3A = arith.mulf %sub3A_128, %sub3A_128 : vector<16x16xf32>
      %reduce_sum3A_129 = vector.shape_cast %integer_pow3A : vector<16x16xf32> to vector<1x16x16xf32>
      %reduce_sum3A_130 = arith.constant dense<0.000000e+00> : vector<1xf32>
      %reduce_sum3A_131 = vector.multi_reduction <add>, %reduce_sum3A_129, %reduce_sum3A_130 [1, 2] : vector<1x16x16xf32> to vector<1xf32>
      %reduce_sum3A_132 = vector.shape_cast %reduce_sum3A_131 : vector<1xf32> to vector<1x1x1xf32>
      %reduce_sum3A_133 = vector.extract %reduce_sum3A_132[0, 0, 0] : f32 from vector<1x1x1xf32>
      %div3A_134 = arith.constant 2.560000e+02 : f32
      %div3A_135 = arith.divf %reduce_sum3A_133, %div3A_134 : f32
      %swap3A_136 = arith.constant 0 : index
      %swap3A_137 = arith.constant 0 : index
      %swap3A_138 = arith.constant 4 : index
      %swap3A_139 = memref.load %arg9[%swap3A_136, %swap3A_137, %swap3A_138] : memref<1x1x8xf32, #tpu.memory_space<smem>>
      memref.store %div3A_135, %arg9[%swap3A_136, %swap3A_137, %swap3A_138] : memref<1x1x8xf32, #tpu.memory_space<smem>>
    } else {
    }
    %ne3A = arith.constant 0 : i32
    %ne3A_103 = arith.cmpi ne, %arg0, %ne3A : i32
    %convert_element_type3A_104 = arith.extui %ne3A_103 : i1 to i32
    %cond3A_105 = arith.constant 0 : i32
    %cond3A_106 = arith.cmpi ne, %convert_element_type3A_104, %cond3A_105 : i32
    scf.if %cond3A_106 {
      %swap3A_107 = arith.constant 0.000000e+00 : f32
      %swap3A_108 = arith.constant 0 : index
      %swap3A_109 = arith.constant 0 : index
      %swap3A_110 = arith.constant 4 : index
      %swap3A_111 = memref.load %arg9[%swap3A_108, %swap3A_109, %swap3A_110] : memref<1x1x8xf32, #tpu.memory_space<smem>>
      memref.store %swap3A_107, %arg9[%swap3A_108, %swap3A_109, %swap3A_110] : memref<1x1x8xf32, #tpu.memory_space<smem>>
    } else {
    }
    return
  }
  func.func @transform_0(%arg0: i32) -> (i32, i32, i32) {
    %c0_i32 = arith.constant 0 : i32
    %c0_i32_0 = arith.constant 0 : i32
    %c0_i32_1 = arith.constant 0 : i32
    return %arg0, %c0_i32, %c0_i32_0 : i32, i32, i32
  }
  func.func @transform_1(%arg0: i32) -> (i32, i32, i32) {
    %c0_i32 = arith.constant 0 : i32
    %c0_i32_0 = arith.constant 0 : i32
    %c0_i32_1 = arith.constant 0 : i32
    return %arg0, %c0_i32, %c0_i32_0 : i32, i32, i32
  }
  func.func @transform_2(%arg0: i32) -> (i32, i32, i32) {
    %max3A = arith.constant 2 : i32
    %max3A_0 = arith.maxsi %arg0, %max3A : i32
    %c0_i32 = arith.constant 0 : i32
    %c0_i32_1 = arith.constant 0 : i32
    %c0_i32_2 = arith.constant 0 : i32
    return %max3A_0, %c0_i32, %c0_i32_1 : i32, i32, i32
  }
  func.func @transform_3(%arg0: i32) -> (i32, i32, i32) {
    %max3A = arith.constant 2 : i32
    %max3A_0 = arith.maxsi %arg0, %max3A : i32
    %c0_i32 = arith.constant 0 : i32
    %c0_i32_1 = arith.constant 0 : i32
    %c0_i32_2 = arith.constant 0 : i32
    return %max3A_0, %c0_i32, %c0_i32_1 : i32, i32, i32
  }
  func.func @transform_4(%arg0: i32) -> (i32, i32) {
    %c0_i32 = arith.constant 0 : i32
    %c0_i32_0 = arith.constant 0 : i32
    %c0_i32_1 = arith.constant 0 : i32
    return %c0_i32, %c0_i32_0 : i32, i32
  }
  func.func @transform_5(%arg0: i32) -> (i32, i32) {
    %c0_i32 = arith.constant 0 : i32
    %c0_i32_0 = arith.constant 0 : i32
    %c0_i32_1 = arith.constant 0 : i32
    return %c0_i32, %c0_i32_0 : i32, i32
  }
  func.func @transform_6(%arg0: i32) -> (i32, i32) {
    %c0_i32 = arith.constant 0 : i32
    %c0_i32_0 = arith.constant 0 : i32
    %c0_i32_1 = arith.constant 0 : i32
    return %c0_i32, %c0_i32_0 : i32, i32
  }
  func.func @transform_7(%arg0: i32) -> (i32, i32) {
    %c0_i32 = arith.constant 0 : i32
    %c0_i32_0 = arith.constant 0 : i32
    %c0_i32_1 = arith.constant 0 : i32
    return %c0_i32, %c0_i32_0 : i32, i32
  }
  func.func @transform_8(%arg0: i32) -> (i32, i32, i32) {
    %c0_i32 = arith.constant 0 : i32
    %c0_i32_0 = arith.constant 0 : i32
    %c0_i32_1 = arith.constant 0 : i32
    return %arg0, %c0_i32, %c0_i32_0 : i32, i32, i32
  }
}

module attributes {stable_mosaic.version = 14 : i64} {
  func.func @_fb_body(%arg0: i32, %arg1: memref<1x512x512xf32, #tpu.memory_space<vmem>>, %arg2: memref<1x512x512xf32, #tpu.memory_space<vmem>>, %arg3: memref<1x1x8xf32, #tpu.memory_space<smem>>) attributes {dimension_semantics = [#tpu.dimension_semantics<arbitrary>], iteration_bounds = array<i64: 16>, scalar_prefetch = 0 : i64, scratch_operands = 0 : i64, tpu.core_type = #tpu.core_type<tc>, window_params = [{transform_indices = @transform_0, window_bounds = array<i64: 1, 512, 512>}, {transform_indices = @transform_1, window_bounds = array<i64: 1, 512, 512>}, {transform_indices = @transform_2, window_bounds = array<i64: 1, 1, 8>}]} {
    %get3A = arith.constant 0 : index
    %get3A_0 = arith.constant 0 : index
    %get3A_1 = arith.constant 0 : index
    %get3A_2 = vector.load %arg1[%get3A, %get3A_0, %get3A_1] : memref<1x512x512xf32, #tpu.memory_space<vmem>>, vector<1x512x512xf32>
    %get3A_3 = vector.shape_cast %get3A_2 : vector<1x512x512xf32> to vector<512x512xf32>
    %get3A_4 = arith.constant 0 : index
    %get3A_5 = arith.constant 0 : index
    %get3A_6 = arith.constant 0 : index
    %get3A_7 = vector.load %arg2[%get3A_4, %get3A_5, %get3A_6] : memref<1x512x512xf32, #tpu.memory_space<vmem>>, vector<1x512x512xf32>
    %get3A_8 = vector.shape_cast %get3A_7 : vector<1x512x512xf32> to vector<512x512xf32>
    %jit3A = arith.constant 9.99999997E-7 : f32
    %jit3A_9 = arith.constant 0.999998986 : f32
    %max3A = vector.broadcast %jit3A : f32 to vector<512x512xf32>
    %max3A_10 = arith.maximumf %max3A, %get3A_3 : vector<512x512xf32>
    %min3A = vector.broadcast %jit3A_9 : f32 to vector<512x512xf32>
    %min3A_11 = arith.minimumf %min3A, %max3A_10 : vector<512x512xf32>
    %eq3A = arith.constant 1.000000e+00 : f32
    %eq3A_12 = vector.broadcast %eq3A : f32 to vector<512x512xf32>
    %eq3A_13 = arith.cmpf oeq, %get3A_8, %eq3A_12 : vector<512x512xf32>
    %sub3A = arith.constant 1.000000e+00 : f32
    %sub3A_14 = vector.broadcast %sub3A : f32 to vector<512x512xf32>
    %sub3A_15 = arith.subf %sub3A_14, %min3A_11 : vector<512x512xf32>
    %select_n3A = arith.select %eq3A_13, %min3A_11, %sub3A_15 : vector<512x512xi1>, vector<512x512xf32>
    %sub3A_16 = arith.constant 1.000000e+00 : f32
    %sub3A_17 = vector.broadcast %sub3A_16 : f32 to vector<512x512xf32>
    %sub3A_18 = arith.subf %sub3A_17, %select_n3A : vector<512x512xf32>
    %jit3A_19 = arith.constant 1.500000e+00 : f32
    %jit3A_20 = arith.constant 2.500000e-01 : f32
    %broadcast_in_dim3A = vector.broadcast %jit3A_19 : f32 to vector<512x512xf32>
    %broadcast_in_dim3A_21 = vector.broadcast %jit3A_20 : f32 to vector<512x512xf32>
    %select_n3A_22 = arith.select %eq3A_13, %broadcast_in_dim3A, %broadcast_in_dim3A_21 : vector<512x512xi1>, vector<512x512xf32>
    %mul3A = arith.mulf %select_n3A_22, %sub3A_18 : vector<512x512xf32>
    %mul3A_23 = arith.mulf %mul3A, %sub3A_18 : vector<512x512xf32>
    %neg3A = arith.constant 0.000000e+00 : f32
    %neg3A_24 = vector.broadcast %neg3A : f32 to vector<512x512xf32>
    %neg3A_25 = arith.subf %neg3A_24, %mul3A_23 : vector<512x512xf32>
    %log3A = math.log %select_n3A : vector<512x512xf32>
    %mul3A_26 = arith.mulf %neg3A_25, %log3A : vector<512x512xf32>
    %reduce_sum3A = arith.constant dense<0.000000e+00> : vector<512xf32>
    %reduce_sum3A_27 = vector.multi_reduction <add>, %get3A_8, %reduce_sum3A [0] : vector<512x512xf32> to vector<512xf32>
    %reduce_sum3A_28 = vector.shape_cast %reduce_sum3A_27 : vector<512xf32> to vector<1x512xf32>
    %reduce_sum3A_29 = arith.constant dense<0.000000e+00> : vector<1xf32>
    %reduce_sum3A_30 = vector.multi_reduction <add>, %reduce_sum3A_28, %reduce_sum3A_29 [1] : vector<1x512xf32> to vector<1xf32>
    %reduce_sum3A_31 = vector.shape_cast %reduce_sum3A_30 : vector<1xf32> to vector<1x1xf32>
    %reduce_sum3A_32 = vector.extract %reduce_sum3A_31[0, 0] : f32 from vector<1x1xf32>
    %convert_element_type3A = arith.fptosi %reduce_sum3A_32 : f32 to i32
    %sub3A_33 = arith.constant 262144 : i32
    %sub3A_34 = arith.subi %sub3A_33, %convert_element_type3A : i32
    %mul3A_35 = arith.constant 10 : i32
    %mul3A_36 = arith.muli %convert_element_type3A, %mul3A_35 : i32
    %min3A_37 = arith.minsi %mul3A_36, %sub3A_34 : i32
    %jit3A_38 = arith.constant -1.000000e+00 : f32
    %broadcast_in_dim3A_39 = vector.broadcast %jit3A_38 : f32 to vector<512x512xf32>
    %select_n3A_40 = arith.select %eq3A_13, %broadcast_in_dim3A_39, %mul3A_26 : vector<512x512xi1>, vector<512x512xf32>
    %bitcast_convert_type3A = tpu.bitcast %select_n3A_40 : vector<512x512xf32> -> vector<512x512xi32>
    %scan3A = arith.constant 0 : i32
    %scan3A_41 = arith.constant 2139095039 : i32
    %scan3A_42 = arith.constant 0 : i32
    %scan3A_43 = arith.constant 31 : i32
    %scan3A_44 = arith.addi %scan3A_42, %scan3A_43 : i32
    %scan3A_45 = arith.constant 1 : i32
    %scan3A_46:2 = scf.for %scan3A_96 = %scan3A_42 to %scan3A_44 step %scan3A_45 iter_args(%scan3A_97 = %scan3A, %scan3A_98 = %scan3A_41) -> (i32, i32)  : i32 {
      %sub3A_99 = arith.subi %scan3A_98, %scan3A_97 : i32
      %add3A_100 = arith.constant 1 : i32
      %add3A_101 = arith.addi %sub3A_99, %add3A_100 : i32
      %jit3A_102 = arith.constant 2 : i32
      %div3A_103 = arith.divsi %add3A_101, %jit3A_102 : i32
      %sign3A = arith.constant 0 : i32
      %sign3A_104 = arith.cmpi sgt, %add3A_101, %sign3A : i32
      %sign3A_105 = arith.extui %sign3A_104 : i1 to i32
      %sign3A_106 = arith.constant 0 : i32
      %sign3A_107 = arith.cmpi slt, %add3A_101, %sign3A_106 : i32
      %sign3A_108 = arith.extui %sign3A_107 : i1 to i32
      %sign3A_109 = arith.subi %sign3A_105, %sign3A_108 : i32
      %sign3A_110 = arith.constant 0 : i32
      %sign3A_111 = arith.cmpi sgt, %jit3A_102, %sign3A_110 : i32
      %sign3A_112 = arith.extui %sign3A_111 : i1 to i32
      %sign3A_113 = arith.constant 0 : i32
      %sign3A_114 = arith.cmpi slt, %jit3A_102, %sign3A_113 : i32
      %sign3A_115 = arith.extui %sign3A_114 : i1 to i32
      %sign3A_116 = arith.subi %sign3A_112, %sign3A_115 : i32
      %ne3A = arith.cmpi ne, %sign3A_109, %sign3A_116 : i32
      %rem3A = arith.remsi %add3A_101, %jit3A_102 : i32
      %ne3A_117 = arith.constant 0 : i32
      %ne3A_118 = arith.cmpi ne, %rem3A, %ne3A_117 : i32
      %and3A = arith.andi %ne3A, %ne3A_118 : i1
      %sub3A_119 = arith.constant 1 : i32
      %sub3A_120 = arith.subi %div3A_103, %sub3A_119 : i32
      %select_n3A_121 = arith.select %and3A, %sub3A_120, %div3A_103 : i32
      %add3A_122 = arith.addi %scan3A_97, %select_n3A_121 : i32
      %ge3A = vector.broadcast %add3A_122 : i32 to vector<512x512xi32>
      %ge3A_123 = arith.cmpi sge, %bitcast_convert_type3A, %ge3A : vector<512x512xi32>
      %convert_element_type3A_124 = arith.extui %ge3A_123 : vector<512x512xi1> to vector<512x512xi32>
      %reduce_sum3A_125 = arith.constant dense<0> : vector<512xi32>
      %reduce_sum3A_126 = vector.multi_reduction <add>, %convert_element_type3A_124, %reduce_sum3A_125 [0] : vector<512x512xi32> to vector<512xi32>
      %reduce_sum3A_127 = vector.shape_cast %reduce_sum3A_126 : vector<512xi32> to vector<1x512xi32>
      %reduce_sum3A_128 = arith.constant dense<0> : vector<1xi32>
      %reduce_sum3A_129 = vector.multi_reduction <add>, %reduce_sum3A_127, %reduce_sum3A_128 [1] : vector<1x512xi32> to vector<1xi32>
      %reduce_sum3A_130 = vector.shape_cast %reduce_sum3A_129 : vector<1xi32> to vector<1x1xi32>
      %reduce_sum3A_131 = vector.extract %reduce_sum3A_130[0, 0] : i32 from vector<1x1xi32>
      %ge3A_132 = arith.cmpi sge, %reduce_sum3A_131, %min3A_37 : i32
      %select_n3A_133 = arith.select %ge3A_132, %add3A_122, %scan3A_97 : i32
      %sub3A_134 = arith.constant 1 : i32
      %sub3A_135 = arith.subi %add3A_122, %sub3A_134 : i32
      %select_n3A_136 = arith.select %ge3A_132, %scan3A_98, %sub3A_135 : i32
      scf.yield %select_n3A_133, %select_n3A_136 : i32, i32
    }
    %gt3A = vector.broadcast %scan3A_46#0 : i32 to vector<512x512xi32>
    %gt3A_47 = arith.cmpi sgt, %bitcast_convert_type3A, %gt3A : vector<512x512xi32>
    %eq3A_48 = vector.broadcast %scan3A_46#0 : i32 to vector<512x512xi32>
    %eq3A_49 = arith.cmpi eq, %bitcast_convert_type3A, %eq3A_48 : vector<512x512xi32>
    %convert_element_type3A_50 = arith.extui %gt3A_47 : vector<512x512xi1> to vector<512x512xi32>
    %convert_element_type3A_51 = arith.sitofp %convert_element_type3A_50 : vector<512x512xi32> to vector<512x512xf32>
    %reduce_sum3A_52 = arith.constant dense<0.000000e+00> : vector<512xf32>
    %reduce_sum3A_53 = vector.multi_reduction <add>, %convert_element_type3A_51, %reduce_sum3A_52 [0] : vector<512x512xf32> to vector<512xf32>
    %reduce_sum3A_54 = vector.shape_cast %reduce_sum3A_53 : vector<512xf32> to vector<1x512xf32>
    %reduce_sum3A_55 = arith.constant dense<0.000000e+00> : vector<1xf32>
    %reduce_sum3A_56 = vector.multi_reduction <add>, %reduce_sum3A_54, %reduce_sum3A_55 [1] : vector<1x512xf32> to vector<1xf32>
    %reduce_sum3A_57 = vector.shape_cast %reduce_sum3A_56 : vector<1xf32> to vector<1x1xf32>
    %reduce_sum3A_58 = vector.extract %reduce_sum3A_57[0, 0] : f32 from vector<1x1xf32>
    %convert_element_type3A_59 = arith.extui %eq3A_49 : vector<512x512xi1> to vector<512x512xi32>
    %convert_element_type3A_60 = arith.sitofp %convert_element_type3A_59 : vector<512x512xi32> to vector<512x512xf32>
    %reduce_sum3A_61 = arith.constant dense<0.000000e+00> : vector<512xf32>
    %reduce_sum3A_62 = vector.multi_reduction <add>, %convert_element_type3A_60, %reduce_sum3A_61 [0] : vector<512x512xf32> to vector<512xf32>
    %reduce_sum3A_63 = vector.shape_cast %reduce_sum3A_62 : vector<512xf32> to vector<1x512xf32>
    %reduce_sum3A_64 = arith.constant dense<0.000000e+00> : vector<1xf32>
    %reduce_sum3A_65 = vector.multi_reduction <add>, %reduce_sum3A_63, %reduce_sum3A_64 [1] : vector<1x512xf32> to vector<1xf32>
    %reduce_sum3A_66 = vector.shape_cast %reduce_sum3A_65 : vector<1xf32> to vector<1x1xf32>
    %reduce_sum3A_67 = vector.extract %reduce_sum3A_66[0, 0] : f32 from vector<1x1xf32>
    %max3A_68 = arith.constant 1.000000e+00 : f32
    %max3A_69 = arith.maximumf %reduce_sum3A_67, %max3A_68 : f32
    %jit3A_70 = arith.constant 0.000000e+00 : f32
    %broadcast_in_dim3A_71 = vector.broadcast %jit3A_70 : f32 to vector<512x512xf32>
    %select_n3A_72 = arith.select %gt3A_47, %mul3A_26, %broadcast_in_dim3A_71 : vector<512x512xi1>, vector<512x512xf32>
    %reduce_sum3A_73 = arith.constant dense<0.000000e+00> : vector<512xf32>
    %reduce_sum3A_74 = vector.multi_reduction <add>, %select_n3A_72, %reduce_sum3A_73 [0] : vector<512x512xf32> to vector<512xf32>
    %reduce_sum3A_75 = vector.shape_cast %reduce_sum3A_74 : vector<512xf32> to vector<1x512xf32>
    %reduce_sum3A_76 = arith.constant dense<0.000000e+00> : vector<1xf32>
    %reduce_sum3A_77 = vector.multi_reduction <add>, %reduce_sum3A_75, %reduce_sum3A_76 [1] : vector<1x512xf32> to vector<1xf32>
    %reduce_sum3A_78 = vector.shape_cast %reduce_sum3A_77 : vector<1xf32> to vector<1x1xf32>
    %reduce_sum3A_79 = vector.extract %reduce_sum3A_78[0, 0] : f32 from vector<1x1xf32>
    %jit3A_80 = arith.constant 0.000000e+00 : f32
    %broadcast_in_dim3A_81 = vector.broadcast %jit3A_80 : f32 to vector<512x512xf32>
    %select_n3A_82 = arith.select %eq3A_49, %mul3A_26, %broadcast_in_dim3A_81 : vector<512x512xi1>, vector<512x512xf32>
    %reduce_sum3A_83 = arith.constant dense<0.000000e+00> : vector<512xf32>
    %reduce_sum3A_84 = vector.multi_reduction <add>, %select_n3A_82, %reduce_sum3A_83 [0] : vector<512x512xf32> to vector<512xf32>
    %reduce_sum3A_85 = vector.shape_cast %reduce_sum3A_84 : vector<512xf32> to vector<1x512xf32>
    %reduce_sum3A_86 = arith.constant dense<0.000000e+00> : vector<1xf32>
    %reduce_sum3A_87 = vector.multi_reduction <add>, %reduce_sum3A_85, %reduce_sum3A_86 [1] : vector<1x512xf32> to vector<1xf32>
    %reduce_sum3A_88 = vector.shape_cast %reduce_sum3A_87 : vector<1xf32> to vector<1x1xf32>
    %reduce_sum3A_89 = vector.extract %reduce_sum3A_88[0, 0] : f32 from vector<1x1xf32>
    %convert_element_type3A_90 = arith.sitofp %min3A_37 : i32 to f32
    %sub3A_91 = arith.subf %convert_element_type3A_90, %reduce_sum3A_58 : f32
    %mul3A_92 = arith.mulf %sub3A_91, %reduce_sum3A_89 : f32
    %div3A = arith.divf %mul3A_92, %max3A_69 : f32
    %add3A = arith.addf %reduce_sum3A_79, %div3A : f32
    %swap3A = arith.constant 0 : index
    %swap3A_93 = arith.constant 0 : index
    %swap3A_94 = arith.constant 0 : index
    %swap3A_95 = memref.load %arg3[%swap3A, %swap3A_93, %swap3A_94] : memref<1x1x8xf32, #tpu.memory_space<smem>>
    memref.store %add3A, %arg3[%swap3A, %swap3A_93, %swap3A_94] : memref<1x1x8xf32, #tpu.memory_space<smem>>
    return
  }
  func.func @transform_0(%arg0: i32) -> (i32, i32, i32) {
    %c0_i32 = arith.constant 0 : i32
    %c0_i32_0 = arith.constant 0 : i32
    %c0_i32_1 = arith.constant 0 : i32
    return %arg0, %c0_i32, %c0_i32_0 : i32, i32, i32
  }
  func.func @transform_1(%arg0: i32) -> (i32, i32, i32) {
    %c0_i32 = arith.constant 0 : i32
    %c0_i32_0 = arith.constant 0 : i32
    %c0_i32_1 = arith.constant 0 : i32
    return %arg0, %c0_i32, %c0_i32_0 : i32, i32, i32
  }
  func.func @transform_2(%arg0: i32) -> (i32, i32, i32) {
    %c0_i32 = arith.constant 0 : i32
    %c0_i32_0 = arith.constant 0 : i32
    %c0_i32_1 = arith.constant 0 : i32
    return %arg0, %c0_i32, %c0_i32_0 : i32, i32, i32
  }
}

</mosaic_0001>

<sc_bundles>
// kernel: kernel.4.cloned.1.call-start
scs
__scs_entry_jumppad:
0x0: {  	(pc) =	sbr.rel $0x88, $3  }
0x1: {  	(tag) =	ssettag $0x0;
	lr =	simm.s32 $0x1  }
0x2: {  	[smem:$0x3F99] =	sst lr;
	_ =	strace $0xD0000000  }
0x3: {  	_ = 	snop  }
0x4: {  	_ = 	snop  }
0x5: {  	_ = 	snop  }
0x6: {  	_ = 	snop  }
0x7: {  	_ = 	snop  }
__scs_overlays_trampoline_lowered:
0x8: {  	[smem:$0x3FA8] =	sst s0  }
0x9: {  	[smem:$0x3FA9] =	sst s1  }
0xa: {  	[smem:$0x3FAA] =	sst s2  }
0xb: {  	[smem:$0x3FAB] =	sst s3  }
0xc: {  	[smem:$0x3FAC] =	sst s4  }
0xd: {  	[smem:$0x3FAD] =	sst s5  }
0xe: {  	[smem:$0x3FAE] =	sst s6  }
0xf: {  	[smem:$0x3FAF] =	sst s7  }
0x10: {  	[smem:$0x3FB0] =	sst s8  }
0x11: {  	[smem:$0x3FB1] =	sst s9;
	s0 =	simm.s32 @!p0 $0x0  }
0x12: {  	s1 =	sld [smem:$0x3F97];
	s0 =	simm.s32 @p0 $0x1  }
0x13: {  	[smem:$0x3FB2] =	sst s0;
	s0 =	simm.s32 @!p1 $0x0  }
0x14: {  	s2 =	sld [smem:$0x3F96];
	s0 =	simm.s32 @p1 $0x1  }
0x15: {  	[smem:$0x3FB3] =	sst s0;
	s0 =	simm.s32 @!p2 $0x0  }
0x16: {  	s3 =	sld [smem:$0x3FDB];
	s0 =	simm.s32 @p2 $0x1  }
0x17: {  	s4 =	simm.s32 $0x1BF5;
	[smem:$0x3FB5] =	sst s0  }
0x18: {  	s0 =	sld [smem:$0x3F98];
	_ =	swait.ge [sflag:s4], $0x0  }
0x19: {  	s7 =	sld [smem:$0x3F99]  }
0x1a: {  	s8 =	sadd.s32 $0xFFFFE003, lr  }
0x1b: {  	s9 =	sadd.s32 $0xFFFFFEF7, lr;
	s5 =	simm.s32 $0xFFFFFFFF;
	p2 =	slt.u32 s8, $0xFFFFF086  }
0x1c: {  	p1 =	slt.u32 s9, $0xF7A;
	s5 =	simm.s32 @!p2 $0x0  }
0x1d: {  	s5 =	simm.s32 @p1 $0x1;
	p0 =	seq.s32 s7, s2  }
0x1e: {  	s7 =	smul.u32 @!p0 $0xF7A, s2;
	p2 =	seq.s32 @!p0 s5, $0x0  }
0x1f: {  	s9 =	smul.u32 $0xF7A, s1;
	s8 =	simm.s32 @!p0 $0x1BF5;
	p2 =	por !p2, p0  }
0x20: {  	[sflag:s8] =	ssyncset.s32 @!p0 $0xFFFFF086;
	s6 =	sadd.s32 @!p0 s3, s7;
	s7 =	simm.s32 @!p0 $0x108  }
0x21: {  	s3 =	sadd.s32 s3, s9;
	s6 =	sadd.s32 @!p0 $0x88, s6;
	s7 =	simm.s32 @p2 $0x1082  }
0x22: {  	[simem:s7], [sflag:s8] =	dma.local @!p0 [hbm:s6], $0xF7A  }
0x23: {  	s9 =	sor.u32 $0xD0000000, s2;
	s6 =	simm.s32 $0x108;
	_ =	swait.ge @!p0 [sflag:s8], $0x0  }
0x24: {  	s3 =	sadd.s32 $0x88, s3;
	s6 =	simm.s32 @!p1 $0x1082;
	[sflag:s4] =	ssyncset.s32 $0xFFFFF086  }
0x25: {  	[simem:s6], [sflag:s4] =	dma.local [hbm:s3], $0xF7A  }
0x26: {  	[smem:$0x3F99] =	sst s1;
	(tag) =	ssettag s2;
	_ =	strace s9  }
0x27: {  	s1 =	sld [smem:$0x3FA9]  }
0x28: {  	s2 =	sld [smem:$0x3FAA]  }
0x29: {  	s4 =	sld [smem:$0x3FAC]  }
0x2a: {  	p0 =	seq.s32 s5, $0x0;
	s5 =	sld [smem:$0x3FAD]  }
0x2b: {  	s6 =	sld [smem:$0x3FAE]  }
0x2c: {  	s7 =	sld [smem:$0x3FAF]  }
0x2d: {  	s3 =	simm.s32 $0x108;
	s8 =	sld [smem:$0x3FB0]  }
0x2e: {  	s3 =	simm.s32 @!p0 $0x1082;
	s9 =	sld [smem:$0x3FB1]  }
0x2f: {  	lr =	sadd.s32 s0, s3;
	s0 =	sld [smem:$0x3FA8]  }
0x30: {  	s3 =	sld [smem:$0x3FAB]  }
0x31: {  	[smem:$0x3FB4] =	sst s10  }
0x32: {  	s10 =	sld [smem:$0x3FB2];
	_ =	sdelay $0x3  }
0x33: {  	p0 =	seq.s32 s10, $0x1;
	s10 =	sld [smem:$0x3FB4];
	_ =	sdelay $0x3  }
0x34: {  	[smem:$0x3FB4] =	sst s10  }
0x35: {  	s10 =	sld [smem:$0x3FB3];
	_ =	sdelay $0x3  }
0x36: {  	p1 =	seq.s32 s10, $0x1;
	s10 =	sld [smem:$0x3FB4];
	_ =	sdelay $0x3  }
0x37: {  	[smem:$0x3FB4] =	sst s10  }
0x38: {  	s10 =	sld [smem:$0x3FB5]  }
0x39: {  	_ = 	snop;
	(pc) =	sbr.ind lr, $3  }
0x3a: {  	_ = 	snop  }
0x3b: {  	_ = 	snop  }
0x3c: {  	p2 =	seq.s32 s10, $0x1;
	s10 =	sld [smem:$0x3FB4]  }
0x3d: {  	_ =	shalt  }
0x3e: {  	_ =	shalt  }
0x3f: {  	_ =	shalt  }
0x40: {  	_ =	shalt  }
0x41: {  	_ =	shalt  }
0x42: {  	_ =	shalt  }
0x43: {  	_ =	shalt  }
0x44: {  	_ =	shalt  }
0x45: {  	_ =	shalt  }
0x46: {  	_ =	shalt  }
0x47: {  	_ =	shalt  }
0x48: {  	_ =	shalt  }
0x49: {  	_ =	shalt  }
0x4a: {  	_ =	shalt  }
0x4b: {  	_ =	shalt  }
0x4c: {  	_ =	shalt  }
0x4d: {  	_ =	shalt  }
0x4e: {  	_ =	shalt  }
0x4f: {  	_ =	shalt  }
0x50: {  	_ =	shalt  }
0x51: {  	_ =	shalt  }
0x52: {  	_ =	shalt  }
0x53: {  	_ =	shalt  }
0x54: {  	_ =	shalt  }
0x55: {  	_ =	shalt  }
0x56: {  	_ =	shalt  }
0x57: {  	_ =	shalt  }
0x58: {  	_ =	shalt  }
0x59: {  	_ =	shalt  }
0x5a: {  	_ =	shalt  }
0x5b: {  	_ =	shalt  }
0x5c: {  	_ =	shalt  }
0x5d: {  	_ =	shalt  }
0x5e: {  	_ =	shalt  }
0x5f: {  	_ =	shalt  }
0x60: {  	_ =	shalt  }
0x61: {  	_ =	shalt  }
0x62: {  	_ =	shalt  }
0x63: {  	_ =	shalt  }
0x64: {  	_ =	shalt  }
0x65: {  	_ =	shalt  }
0x66: {  	_ =	shalt  }
0x67: {  	_ =	shalt  }
0x68: {  	_ =	shalt  }
0x69: {  	_ =	shalt  }
0x6a: {  	_ =	shalt  }
0x6b: {  	_ =	shalt  }
0x6c: {  	_ =	shalt  }
0x6d: {  	_ =	shalt  }
0x6e: {  	_ =	shalt  }
0x6f: {  	_ =	shalt  }
0x70: {  	_ =	shalt  }
0x71: {  	_ =	shalt  }
0x72: {  	_ =	shalt  }
0x73: {  	_ =	shalt  }
0x74: {  	_ =	shalt  }
0x75: {  	_ =	shalt  }
0x76: {  	_ =	shalt  }
0x77: {  	_ =	shalt  }
0x78: {  	_ =	shalt  }
0x79: {  	_ =	shalt  }
0x7a: {  	_ =	shalt  }
0x7b: {  	_ =	shalt  }
0x7c: {  	_ =	shalt  }
0x7d: {  	_ =	shalt  }
0x7e: {  	_ =	shalt  }
0x7f: {  	_ =	shalt  }
0x80: {  	_ =	shalt  }
0x81: {  	_ =	shalt  }
0x82: {  	_ =	shalt  }
0x83: {  	_ =	shalt  }
0x84: {  	_ =	shalt  }
0x85: {  	_ =	shalt  }
0x86: {  	_ =	shalt  }
0x87: {  	_ =	shalt  }
.Lfunc_end0:
.L_simem_size_0:
called_computation_lowered:
.L_overlay_start_0:
0x88: {  	s2 =	sld [smem:$0x3FD9]  }
0x89: {  	s3 =	sld [smem:$0x3FFE];
	_ =	sdelay $0x1  }
0x8a: {  	s1 =	srdreg.scid  }
0x8b: {  	s0 =	sand.u32 $0x1, s1  }
0x8c: {  	s17 =	sshll.u32 s0, $0xA;
	s2 =	sadd.s32 s3, s2  }
0x8d: {  	s2 =	sadd.s32 s2, s17  }
0x8e: {  	[smem:$0x3FC0] =	sst s2  }
0x8f: {  	_ = 	snop  }
0x90: {  	s2 =	sld [smem:$0x3FC9]  }
0x91: {  	s18 =	sld [smem:$0x3FC8]  }
0x92: {  	s4 =	sld [smem:$0x3FC5];
	(tm) =	ssettm $0x1  }
0x93: {  	s5 =	sld [smem:$0x3FFB];
	_ =	sdelay $0x3  }
0x94: {  	_ =	strace s5  }
0x95: {  	s5 =	sld [smem:$0x3FFC];
	_ =	sdelay $0x3  }
0x96: {  	_ =	strace s5  }
0x97: {  	s5 =	sld [smem:$0x3FFD];
	_ =	sdelay $0x3  }
0x98: {  	_ =	strace s5  }
0x99: {  	_ =	strace $0x8FFFFFFF  }
0x9a: {  	s19 =	sld [smem:$0x3FDB];
	_ =	sdelay $0x1  }
0x9b: {  	s6 =	simm.s32 $_scs_section_size  }
0x9c: {  	s7 =	simm.s32 $_size__tile_overlayer_lowered;
	s8 =	simm.s32 $_tile_overlayer_lowered  }
0x9d: {  	s22 =	simm.s32 $0x1BFF;
	s21 =	sshll.u32 s8, $0x1;
	s5 =	sadd.s32 s6, s19  }
0x9e: {  	s9 =	simm.s32 $0x0;
	s20 =	sshll.u32 s7, $0x1;
	s7 =	sadd.s32 s21, s5  }
0x9f: {  	[timem:s9], [sflag:s22] =	dma.local [hbm:s7], s20  }
0xa0: {  	_ =	swait.ge [sflag:s22], s20  }
0xa1: {  	s6 =	ssub.s32 $0x0, s20;
	[sflag:s22] =	ssyncset.done $0x0  }
0xa2: {  	[sflag:s22] =	ssyncadd.s32 s6;
	_ =	sdelay $0x1  }
0xa3: {  	s23 =	simm.s32 $0x1B8B  }
0xa4: {  	_ =	swait.ge [sflag:s23], $0x1  }
0xa5: {  	[sflag:s23] =	ssyncset.done $0x0  }
0xa6: {  	s25 =	simm.s32 $0x1B8E;
	s24 =	sld [smem:$0x3FFE];
	[sflag:s23] =	ssyncadd.s32 $0xFFFFFFFF  }
0xa7: {  	s26 =	simm.s32 $execute0_lowered;
	[smem:$0x3FD2] =	sst s25  }
0xa8: {  	s7 =	sshll.u32 s26, $0x1;
	_ =	strace $0x80000046;
	[dreg:$0x1] =	wrdreg $0xFFFFFFFF  }
0xa9: {  	s28 =	simm.s32 $_size_execute0_lowered;
	s5 =	sadd.s32 s5, s7;
	[dreg:$0x0] =	wrdreg $0x0  }
0xaa: {  	s7 =	sshll.u32 s28, $0x1;
	[dreg:$0x2] =	wrdreg s5  }
0xab: {  	[dreg:$0x3] =	wrdreg s7  }
0xac: {  	[dreg:$0x4] =	wrdreg $0xC0  }
0xad: {  	_ =	task [dreg:s9], $0x5FFFF  }
0xae: {  	[dreg:$0x1] =	wrdreg $0xFFFFFFFF  }
0xaf: {  	[dreg:$0x0] =	wrdreg $0x60  }
0xb0: {  	[dreg:$0x2] =	wrdreg s2  }
0xb1: {  	[dreg:$0x3] =	wrdreg s18  }
0xb2: {  	[dreg:$0x4] =	wrdreg s4  }
0xb3: {  	[dreg:$0x5] =	wrdreg s24  }
0xb4: {  	[dreg:$0x6] =	wrdreg $0x9  }
0xb5: {  	_ =	task.clear_ibuf [dreg:s9], $0x7FFFF;
	_ =	strace $0x90000046  }
0xb6: {  	s29 =	simm.s32 $0x9;
	_ =	strace $0x80000048  }
0xb7: {  	_ =	swait.ge [sflag:s29], $0x1  }
0xb8: {  	[sflag:s29] =	ssyncadd.s32 $0xFFFFFFFF  }
0xb9: {  	_ =	strace $0x90000048  }
0xba: {  	_ =	sfence  }
0xbb: {  	s30 =	sld [smem:$0x0];
	_ =	sdelay $0x2  }
0xbc: {  	s31 =	sshll.u32 s1, $0xD;
	s1 =	sshrl.u32 s1, $0x2  }
0xbd: {  	s3 =	sand.u32 $0x4000, s31;
	s1 =	sadd.s32 s1, s30  }
0xbe: {  	s0 =	sor.u32 s3, s0;
	s1 =	sshll.u32 s1, $0x11  }
0xbf: {  	s0 =	sor.u32 s1, s0  }
0xc0: {  	s0 =	sadd.s32 $0x8F2B, s0  }
0xc1: {  	[sflag:s0] =	ssyncadd.remote.s32 $0x1  }
0xc2: {  	_ =	sfence.sel $0xFFFF  }
0xc3: {  	[dreg:$0x0] =	wrdreg $0xFFFFFFFF;
	(pc) =	sbr.abs _section_cstart, $3  }
0xc4: {  	[dreg:$0x1] =	wrdreg $0xFFFFFFFF  }
0xc5: {  	_ =	task.clear_ibuf [dreg:s9], $0x2FFFF;
	_ =	strace $0x9FFFFFFF  }
0xc6: {  	(tm) =	ssettm $0x7FFFFFFF  }
0xc7: {  	_ =	shalt  }
tec
execute0_lowered:
.L_overlay_start_1:
0x0: {  	(tag) =	ssettag $0x1  }
0x1: {  	s3 =	rddreg [dreg:$0x0]  }
0x2: {  	s4 =	rddreg [dreg:$0x1]  }
0x3: {  	s5 =	rddreg [dreg:$0x2]  }
0x4: {  	s1 =	srdreg.scid;
	s0 =	stileid.u32  }
0x5: {  	s6 =	rddreg [dreg:$0x3];
	s2 =	simm.s32 $0x0;
	s12 =	simm.s32 $0x0  }
0x6: {  	s7 =	sand.u32 $0x1, s1;
	s8 =	sshll.u32 s0, $0x1;
	s1 =	rddreg [dreg:$0x4]  }
0x7: {  	[smem:$0x7FF] =	sst s2;
	s9 =	sshll.u32 s0, $0xC;
	s8 =	sor.u32 s7, s8  }
0x8: {  	s7 =	ssub.s32 $0x2, s7;
	s9 =	sand.u32 $0x8000, s9;
	_ =	strace $0x80000047  }
0x9: {  	s10 =	sshll.u32 s8, $0xB;
	s11 =	sshrl.u32 s7, $0x1;
	s8 =	sshll.u32 s8, $0x2  }
0xa: {  	s10 =	sand.u32 $0x7800, s10;
	s7 =	ssub.s32 s7, s11;
	s6 =	sadd.s32 s6, s8  }
0xb: {  	s8 =	simm.s32 $0x1;
	s11 =	simm.s32 $0xC000;
	s9 =	sor.u32 s9, s10  }
0xc: {  	s7 =	smax.u32 s7, $0x1;
	s10 =	simm.s32 $0x8000;
	s3 =	sadd.s32 s3, s9  }
0xd: {  	v0 =	vimm.f32 $1.000000000e+00;
	v1 =	vimm.s32 $0x0;
	s4 =	sadd.s32 s4, s9;
	s5 =	sadd.s32 s5, s9;
	s9 =	simm.s32 $0x4000  }
.LBB2_1:
0xe: {  	[tilespmem:s2], [sflag:$0x1] =	stream.linear.gather [hbm4b:s3+s2], $0x4000, $0x38;
	[tilespmem:$0xC080] =	vst v63  }
0xf: {  	_ =	swait.ge [sflag:s8], $0x4000  }
0x10: {  	[sflag:s8] =	ssyncset.done $0x0  }
0x11: {  	[sflag:s8] =	ssyncadd.s32 $0xFFFFC000  }
0x12: {  	[tilespmem:s9], [sflag:$0x1] =	stream.linear.gather [hbm4b:s4+s2], $0x4000, $0x38;
	[tilespmem:$0xC080] =	vst v63  }
0x13: {  	_ =	swait.ge [sflag:s8], $0x4000  }
0x14: {  	s13 =	sand.u32 $0x70, s2;
	s14 =	simm.s32 $0x0;
	[sflag:s8] =	ssyncset.done $0x0  }
0x15: {  	s15 =	sand.u32 $0xC00, s2;
	s16 =	simm.s32 $0x0;
	[sflag:s8] =	ssyncadd.s32 $0xFFFFC000  }
0x16: {  	[tilespmem:s10], [sflag:$0x1] =	stream.linear.gather [hbm4b:s5+s2], $0x4000, $0x38;
	[tilespmem:$0xC080] =	vst v63  }
0x17: {  	s14 =	sand.u32 $0x3000, s14;
	s13 =	sor.u32 s15, s13;
	_ =	swait.ge [sflag:s8], $0x4000  }
0x18: {  	s19 =	sand.u32 $0x380, s16;
	s13 =	sor.u32 s14, s13;
	[sflag:s8] =	ssyncset.done $0x0  }
0x19: {  	s18 =	sor.u32 s19, s13;
	[sflag:s8] =	ssyncadd.s32 $0xFFFFC000  }
0x1a: {  	v4 =	vld [tilespmem:s18+$0x8000];
	_ =	sdelay $0x4  }
0x1b: {  	v2 =	vmax.f32 v4, $0.0e+00  }
0x1c: {  	v9 =	vadd.f32 $1.000000000e+00, v2;
	_ =	sdelay $0x1  }
0x1d: {  	v2 =	vand.u32 $0x7FFFFF, v9  }
0x1e: {  	v2 =	vor.u32 $0x3F800000, v2  }
0x1f: {  	v3 =	vmul.f32 $5.000000000e-01, v2  }
0x20: {  	vm0 =	vgt.f32 v2, $1.414213540e+00  }
0x21: {  	s20 =	simm.s32 $0x10;
	s21 =	simm.s32 $0x80;
	v2 =	vsel vm0, v3, v2  }
0x22: {  	s22 =	simm.s32 $0x10;
	s14 =	sand.u32 $0xC00, s21;
	s13 =	sand.u32 $0x70, s20;
	v10 =	vadd.f32 $-1.000000000e+00, v2  }
0x23: {  	s23 =	simm.s32 $0x4;
	s15 =	sand.u32 $0x3000, s22;
	s13 =	sor.u32 s14, s13  }
0x24: {  	s24 =	sand.u32 $0x380, s23;
	s13 =	sor.u32 s15, s13;
	v2 =	vmul.f32 $7.037683580e-02, v10  }
0x25: {  	s14 =	sor.u32 s24, s13  }
0x26: {  	v3 =	vld [tilespmem:s14+$0x8000];
	v2 =	vadd.f32 $-1.151461010e-01, v2;
	_ =	sdelay $0x1  }
0x27: {  	v2 =	vmul.f32 v2, v10;
	_ =	sdelay $0x1  }
0x28: {  	v2 =	vadd.f32 $1.167699840e-01, v2  }
0x29: {  	v5 =	vmax.f32 v3, $0.0e+00  }
0x2a: {  	v7 =	vadd.f32 $1.000000000e+00, v5;
	v2 =	vmul.f32 v2, v10;
	_ =	sdelay $0x1  }
0x2b: {  	v5 =	vand.u32 $0x7FFFFF, v7;
	v2 =	vadd.f32 $-1.242014100e-01, v2  }
0x2c: {  	v5 =	vor.u32 $0x3F800000, v5  }
0x2d: {  	s25 =	simm.s32 $0x20;
	s26 =	simm.s32 $0x100;
	v6 =	vmul.f32 $5.000000000e-01, v5;
	v2 =	vmul.f32 v2, v10  }
0x2e: {  	s28 =	simm.s32 $0x20;
	s15 =	sand.u32 $0xC00, s26;
	s13 =	sand.u32 $0x70, s25;
	vm1 =	vgt.f32 v5, $1.414213540e+00  }
0x2f: {  	s17 =	simm.s32 $0x8;
	s16 =	sand.u32 $0x3000, s28;
	s13 =	sor.u32 s15, s13;
	v5 =	vsel vm1, v6, v5;
	v2 =	vadd.f32 $1.424932330e-01, v2  }
0x30: {  	s29 =	sand.u32 $0x380, s17;
	s13 =	sor.u32 s16, s13;
	v8 =	vadd.f32 $-1.000000000e+00, v5  }
0x31: {  	s13 =	sor.u32 s29, s13;
	v5 =	vmul.f32 v2, v10  }
0x32: {  	v6 =	vmul.f32 $7.037683580e-02, v8;
	v2 =	vld [tilespmem:s13+$0x8000]  }
0x33: {  	v5 =	vadd.f32 $-1.666805740e-01, v5  }
0x34: {  	v6 =	vadd.f32 $-1.151461010e-01, v6  }
0x35: {  	v5 =	vmul.f32 v5, v10  }
0x36: {  	v6 =	vmul.f32 v6, v8  }
0x37: {  	v11 =	vmax.f32 v2, $0.0e+00;
	v12 =	vadd.f32 $2.000071410e-01, v5  }
0x38: {  	v5 =	vadd.f32 $1.000000000e+00, v11;
	v11 =	vadd.f32 $1.167699840e-01, v6;
	_ =	sdelay $0x1  }
0x39: {  	vm0 =	vmmov vm0;
	v11 =	vmul.f32 v11, v8  }
0x3a: {  	v9 =	vshra.s32 v9, $0x17;
	vm2 =	vmmov vm0;
	v12 =	vmul.f32 v12, v10  }
0x3b: {  	v14 =	vsel vm2, $0x1, v1;
	v15 =	vmul.f32 v10, v10;
	v11 =	vadd.f32 $-1.242014100e-01, v11  }
0x3c: {  	s17 =	simm.s32 $0x180;
	s16 =	simm.s32 $0x30;
	v9 =	vadd.s32 v14, v9;
	v13 =	vand.u32 $0x7FFFFF, v5;
	v12 =	vadd.f32 $-2.499999400e-01, v12  }
0x3d: {  	s19 =	simm.s32 $0x30;
	s20 =	sand.u32 $0xC00, s17;
	s30 =	sand.u32 $0x70, s16;
	v16 =	vld [tilespmem:s18+$0x0];
	v17 =	vmul.f32 $5.000000000e-01, v15;
	v13 =	vor.u32 $0x3F800000, v13;
	v11 =	vmul.f32 v11, v8  }
0x3e: {  	s21 =	simm.s32 $0xC;
	s19 =	sand.u32 $0x3000, s19;
	s15 =	sor.u32 s20, s30;
	v9 =	vadd.s32 $0xFFFFFF81, v9;
	v14 =	vmul.f32 $5.000000000e-01, v13;
	v12 =	vmul.f32 v12, v10  }
0x3f: {  	s31 =	sand.u32 $0x380, s21;
	s15 =	sor.u32 s19, s15;
	v18 =	vcvt.s32.f32 v9;
	vm0 =	vgt.f32 v13, $1.414213540e+00;
	v9 =	vadd.f32 $1.424932330e-01, v11  }
0x40: {  	s15 =	sor.u32 s31, s15;
	v15 =	vmul.f32 v15, v10;
	v13 =	vsel vm0, v14, v13;
	v12 =	vadd.f32 $3.333333130e-01, v12  }
0x41: {  	v10 =	vsub.f32 v10, v17;
	v11 =	vadd.f32 $-1.000000000e+00, v13;
	v13 =	vmul.f32 v9, v8;
	v9 =	vld [tilespmem:s15+$0x8000]  }
0x42: {  	vm3 =	vgt.f32 v16, $1.000000010e-01;
	v12 =	vmul.f32 v12, v15  }
0x43: {  	vm5 =	vgt.f32 v4, $1.000000000e+00;
	vm4 =	vge.f32 v4, $5.000000000e+01;
	vm1 =	vmmov vm1  }
0x44: {  	v4 =	vimm.f32 $0.0e+00;
	vm1 =	vmmov vm1;
	v14 =	vadd.f32 v12, v10;
	v12 =	vld [tilespmem:s18+$0x4000]  }
0x45: {  	v6 =	vimm.f32 $0.0e+00;
	v15 =	vmul.f32 $6.931471820e-01, v18;
	v16 =	vmul.f32 $7.037683580e-02, v11;
	s18 =	simm.s32 $0x4;
	v10 =	vmovc v8  }
.LBB2_2:
0x46: {  	v17 =	vmov v8;
	v8 =	vmov v11;
	v11 =	vmax.f32 v9, $0.0e+00  }
0x47: {  	p0 =	sne.s32 s18, $0x3FF;
	v13 =	vadd.f32 $-1.666805740e-01, v13;
	v14 =	vadd.f32 v14, v15;
	v18 =	vmovc v9;
	vm2 =	vmmov vm0  }
0x48: {  	vm0 =	vmor vm3, vm5;
	v15 =	vsel vm4, $0x40800000, v0;
	v9 =	vadd.f32 $-1.151461010e-01, v16  }
0x49: {  	v11 =	vadd.f32 $1.000000000e+00, v11;
	v13 =	vmul.f32 v13, v10;
	v12 =	vsub.f32 v12, v14  }
0x4a: {  	v15 =	vnsel vm0, $0x0, v15;
	v14 =	vshra.s32 v7, $0x17;
	v7 =	vmovc v5;
	v9 =	vmul.f32 v9, v8  }
0x4b: {  	v16 =	vand.u32 $0x7FFFFF, v11;
	v5 =	vmovc v11;
	v13 =	vadd.f32 $2.000071410e-01, v13;
	v19 =	vmul.f32 $5.000000000e-01, v12  }
0x4c: {  	v11 =	vor.u32 $0x3F800000, v16;
	v16 =	vand.u32 $0x7FFFFFFF, v12;
	v9 =	vadd.f32 $1.167699840e-01, v9  }
0x4d: {  	v13 =	vmul.f32 v13, v10;
	v12 =	vmul.f32 v19, v12;
	v19 =	vadd.f32 $-5.000000000e-01, v16  }
0x4e: {  	vm0 =	vgt.f32 v11, $1.414213540e+00;
	v20 =	vmul.f32 $5.000000000e-01, v11;
	vm3 =	vlt.f32 v16, $1.000000000e+00  }
0x4f: {  	s16 =	sadd.s32 $0x10, s16;
	s17 =	sadd.s32 $0x80, s17;
	v9 =	vmul.f32 v9, v8;
	v13 =	vadd.f32 $-2.499999400e-01, v13;
	v12 =	vsel vm3, v12, v19  }
0x50: {  	s20 =	sshll.u32 s18, $0x4;
	s19 =	sand.u32 $0x70, s16;
	s21 =	sand.u32 $0xC00, s17;
	v17 =	vmul.f32 v17, v10;
	v16 =	vsel vm1, $0x1, v1;
	v12 =	vmul.f32 v12, v15  }
0x51: {  	s22 =	sshll.u32 s18, $0x2;
	s20 =	sand.u32 $0x3000, s20;
	s19 =	sor.u32 s21, s19;
	v14 =	vadd.s32 v16, v14;
	v9 =	vadd.f32 $-1.242014100e-01, v9;
	v13 =	vmul.f32 v13, v10;
	v19 =	vld [tilespmem:s14+$0x0]  }
0x52: {  	s21 =	sand.u32 $0x380, s22;
	s19 =	sor.u32 s20, s19;
	v16 =	vmul.f32 $5.000000000e-01, v17;
	v14 =	vadd.s32 $0xFFFFFF81, v14;
	v6 =	vadd.f32 v12, v6  }
0x53: {  	s19 =	sor.u32 s21, s19;
	v17 =	vmul.f32 v17, v10;
	v12 =	vmul.f32 v9, v8;
	v13 =	vadd.f32 $3.333333130e-01, v13  }
.Ltmp0:
0x54: {  	v4 =	vadd.f32 v15, v4;
	v11 =	vsel vm0, v20, v11;
	v20 =	vcvt.s32.f32 v14;
	v9 =	vld [tilespmem:s19+$0x8000];
	(pc) =	sbr.rel @p0 .LBB2_2-.Ltmp0, $4  }
0x55: {  	v15 =	vsub.f32 v10, v16;
	v10 =	vmovc v8;
	v14 =	vadd.f32 $1.424932330e-01, v12;
	v16 =	vmul.f32 v13, v17  }
0x56: {  	vm1 =	vmmov vm2;
	v11 =	vadd.f32 $-1.000000000e+00, v11;
	v12 =	vld [tilespmem:s14+$0x4000];
	vm3 =	vgt.f32 v19, $1.000000010e-01;
	s14 =	smov.u32 s13;
	s13 =	smov.u32 s15;
	s15 =	smov.u32 s19  }
0x57: {  	v13 =	vmul.f32 v14, v10;
	v14 =	vadd.f32 v16, v15;
	v15 =	vmul.f32 $6.931471820e-01, v20  }
0x58: {  	s18 =	sadd.s32 $0x1, s18;
	vm5 =	vgt.f32 v3, $1.000000000e+00;
	vm4 =	vge.f32 v3, $5.000000000e+01;
	v3 =	vmovc v2;
	v2 =	vmovc v18;
	v16 =	vmul.f32 $7.037683580e-02, v11  }
0x59: {  	v17 =	vmax.f32 v9, $0.0e+00  }
0x5a: {  	v17 =	vadd.f32 $1.000000000e+00, v17;
	_ =	sdelay $0x1  }
0x5b: {  	v18 =	vand.u32 $0x7FFFFF, v17  }
0x5c: {  	v18 =	vor.u32 $0x3F800000, v18  }
0x5d: {  	v19 =	vmul.f32 $5.000000000e-01, v18  }
0x5e: {  	vm2 =	vgt.f32 v18, $1.414213540e+00  }
0x5f: {  	v18 =	vsel vm2, v19, v18  }
0x60: {  	v16 =	vadd.f32 $-1.151461010e-01, v16;
	v18 =	vadd.f32 $-1.000000000e+00, v18  }
0x61: {  	v13 =	vadd.f32 $-1.666805740e-01, v13;
	v14 =	vadd.f32 v14, v15  }
0x62: {  	vm3 =	vmor vm3, vm5;
	v57 =	vmul.f32 v16, v11;
	v58 =	vmul.f32 $7.037683580e-02, v18  }
0x63: {  	v59 =	vsel vm4, $0x40800000, v0;
	v7 =	vshra.s32 v7, $0x17;
	v13 =	vmul.f32 v13, v10  }
0x64: {  	v25 =	vsel vm1, $0x1, v1;
	v60 =	vadd.f32 $1.167699840e-01, v57;
	v61 =	vadd.f32 $-1.151461010e-01, v58  }
0x65: {  	v8 =	vmul.f32 v8, v10;
	vm0 =	vmmov vm0;
	v13 =	vadd.f32 $2.000071410e-01, v13  }
0x66: {  	v12 =	vsub.f32 v12, v14;
	v14 =	vmul.f32 v60, v11;
	v15 =	vmul.f32 v61, v18  }
0x67: {  	vm14 =	vgt.f32 v3, $1.000000000e+00;
	vm15 =	vge.f32 v3, $5.000000000e+01;
	v13 =	vmul.f32 v13, v10  }
0x68: {  	v5 =	vshra.s32 v5, $0x17;
	v14 =	vadd.f32 $-1.242014100e-01, v14;
	v15 =	vadd.f32 $1.167699840e-01, v15  }
0x69: {  	v40 =	vmul.f32 v11, v11;
	vm9 =	vgt.f32 v2, $1.000000000e+00;
	v13 =	vadd.f32 $-2.499999400e-01, v13  }
0x6a: {  	vm10 =	vge.f32 v2, $5.000000000e+01;
	v14 =	vmul.f32 v14, v11;
	v15 =	vmul.f32 v15, v18  }
0x6b: {  	v62 =	vnsel vm3, $0x0, v59;
	v7 =	vadd.s32 v25, v7;
	v13 =	vmul.f32 v13, v10  }
0x6c: {  	vm13 =	vmmov vm0;
	v14 =	vadd.f32 $1.424932330e-01, v14;
	v15 =	vadd.f32 $-1.242014100e-01, v15  }
0x6d: {  	v26 =	vmul.f32 $5.000000000e-01, v8;
	v8 =	vmul.f32 v8, v10;
	v13 =	vadd.f32 $3.333333130e-01, v13  }
0x6e: {  	v7 =	vadd.s32 $0xFFFFFF81, v7;
	v14 =	vmul.f32 v14, v11;
	v29 =	vmul.f32 v15, v18  }
0x6f: {  	v7 =	vcvt.s32.f32 v7;
	v28 =	vsub.f32 v10, v26;
	v8 =	vmul.f32 v13, v8  }
0x70: {  	v37 =	vsel vm15, $0x40800000, v0;
	v14 =	vadd.f32 $-1.666805740e-01, v14;
	v31 =	vadd.f32 $1.424932330e-01, v29  }
0x71: {  	v30 =	vld [tilespmem:s14+$0x4000];
	v43 =	vmul.f32 $5.000000000e-01, v40;
	v7 =	vmul.f32 $6.931471820e-01, v7;
	v8 =	vadd.f32 v8, v28  }
0x72: {  	v42 =	vsel vm13, $0x1, v1;
	v32 =	vmul.f32 v14, v11;
	v33 =	vmul.f32 v31, v18  }
0x73: {  	v4 =	vadd.f32 v62, v4;
	v63 =	vmul.f32 $5.000000000e-01, v12;
	v7 =	vadd.f32 v8, v7  }
0x74: {  	v20 =	vand.u32 $0x7FFFFFFF, v12;
	v34 =	vadd.f32 $2.000071410e-01, v32;
	v35 =	vadd.f32 $-1.666805740e-01, v33  }
0x75: {  	v27 =	vld [tilespmem:s14+$0x0];
	vm13 =	vgt.f32 v9, $1.000000000e+00;
	v24 =	vadd.f32 $-5.000000000e-01, v20;
	v12 =	vmul.f32 v63, v12  }
0x76: {  	v3 =	vsub.f32 v30, v7;
	v36 =	vmul.f32 v34, v11;
	v7 =	vmul.f32 v35, v18  }
0x77: {  	v5 =	vadd.s32 v42, v5;
	v45 =	vshra.s32 v17, $0x17;
	vm11 =	vlt.f32 v20, $1.000000000e+00  }
0x78: {  	v50 =	vld [tilespmem:s13+$0x0];
	v12 =	vsel vm11, v12, v24;
	v8 =	vadd.f32 $-2.499999400e-01, v36;
	v7 =	vadd.f32 $2.000071410e-01, v7  }
0x79: {  	v5 =	vadd.s32 $0xFFFFFF81, v5;
	v44 =	vsub.f32 v11, v43;
	v12 =	vmul.f32 v12, v62  }
0x7a: {  	vm12 =	vgt.f32 v27, $1.000000010e-01;
	v8 =	vmul.f32 v8, v11;
	v7 =	vmul.f32 v7, v18  }
0x7b: {  	v5 =	vcvt.s32.f32 v5;
	vm2 =	vmmov vm2;
	v6 =	vadd.f32 v12, v6  }
0x7c: {  	v12 =	vmul.f32 v40, v11;
	v8 =	vadd.f32 $3.333333130e-01, v8;
	v7 =	vadd.f32 $-2.499999400e-01, v7  }
0x7d: {  	vm8 =	vgt.f32 v50, $1.000000010e-01;
	vm6 =	vmmov vm2;
	v48 =	vmul.f32 v18, v18  }
0x7e: {  	v56 =	vld [tilespmem:s15+$0x0];
	v47 =	vsel vm6, $0x1, v1;
	v8 =	vmul.f32 v8, v12;
	v7 =	vmul.f32 v7, v18  }
0x7f: {  	v5 =	vmul.f32 $6.931471820e-01, v5;
	v49 =	vadd.s32 v47, v45;
	v51 =	vmul.f32 $5.000000000e-01, v48  }
0x80: {  	v46 =	vld [tilespmem:s13+$0x4000];
	v19 =	vmul.f32 v48, v18;
	v8 =	vadd.f32 v8, v44;
	v7 =	vadd.f32 $3.333333130e-01, v7  }
0x81: {  	vm0 =	vmor vm12, vm14;
	v52 =	vadd.s32 $0xFFFFFF81, v49;
	v53 =	vsub.f32 v18, v51  }
0x82: {  	v5 =	vadd.f32 v8, v5;
	v8 =	vcvt.s32.f32 v52;
	v7 =	vmul.f32 v7, v19  }
0x83: {  	v54 =	vld [tilespmem:s15+$0x4000];
	vm12 =	vgt.f32 v56, $1.000000010e-01;
	vm14 =	vge.f32 v9, $5.000000000e+01;
	v10 =	vnsel vm0, $0x0, v37  }
0x84: {  	vm0 =	vmor vm8, vm9;
	v8 =	vmul.f32 $6.931471820e-01, v8;
	v7 =	vadd.f32 v7, v53  }
0x85: {  	v38 =	vmul.f32 $5.000000000e-01, v3;
	v39 =	vand.u32 $0x7FFFFFFF, v3;
	v5 =	vsub.f32 v46, v5  }
0x86: {  	v58 =	vsel vm10, $0x40800000, v0;
	v41 =	vadd.f32 $-5.000000000e-01, v39;
	v7 =	vadd.f32 v7, v8  }
0x87: {  	v3 =	vmul.f32 v38, v3;
	v55 =	vmul.f32 $5.000000000e-01, v5;
	v2 =	vand.u32 $0x7FFFFFFF, v5  }
0x88: {  	v57 =	vadd.f32 $-5.000000000e-01, v2;
	vm11 =	vlt.f32 v2, $1.000000000e+00;
	v2 =	vsub.f32 v54, v7  }
0x89: {  	v9 =	vsel vm14, $0x40800000, v0;
	v59 =	vnsel vm0, $0x0, v58;
	vm7 =	vlt.f32 v39, $1.000000000e+00  }
0x8a: {  	v3 =	vsel vm7, v3, v41;
	v5 =	vmul.f32 v55, v5;
	v60 =	vmul.f32 $5.000000000e-01, v2  }
0x8b: {  	vm0 =	vmor vm12, vm13;
	v3 =	vmul.f32 v3, v10;
	v61 =	vand.u32 $0x7FFFFFFF, v2  }
0x8c: {  	v5 =	vsel vm11, v5, v57;
	v62 =	vadd.f32 $-5.000000000e-01, v61;
	v2 =	vmul.f32 v60, v2  }
0x8d: {  	v3 =	vadd.f32 v3, v6;
	v5 =	vmul.f32 v5, v59;
	vm15 =	vlt.f32 v61, $1.000000000e+00  }
0x8e: {  	v4 =	vadd.f32 v10, v4;
	v63 =	vnsel vm0, $0x0, v9;
	v2 =	vsel vm15, v2, v62  }
0x8f: {  	v3 =	vadd.f32 v5, v3;
	v2 =	vmul.f32 v2, v63  }
0x90: {  	v4 =	vadd.f32 v59, v4  }
0x91: {  	v2 =	vadd.f32 v2, v3  }
0x92: {  	s12 =	sadd.s32 $0x1, s12;
	v3 =	vadd.f32 v63, v4  }
0x93: {  	p0 =	sne.s32 s12, s7;
	[tilespmem:$0xC000] =	vst v2  }
.Ltmp1:
0x94: {  	[tilespmem:$0xC010] =	vst v3;
	(pc) =	sbr.rel @p0 .LBB2_1-.Ltmp1, $4  }
0x95: {  	[hbm4b:s6+s2] =	stream.linear.scatter [tilespmem:s11], [sflag:$0x1], $0x20, $0x38;
	[tilespmem:$0xC080] =	vst v63  }
0x96: {  	_ =	swait.ge [sflag:s8], $0x20  }
0x97: {  	[sflag:s8] =	ssyncset.done $0x0  }
0x98: {  	[sflag:s8] =	ssyncadd.s32 $0xFFFFFFE0  }
0x99: {  	_ =	sfence.sel $0x180000  }
0x9a: {  	[bflag:$0x0] =	sbarrier.arrive $0xFFFF  }
0x9b: {  	p0 =	sne.s32 s0, $0x0;
	_ =	strace $0x90000047  }
0x9c: {  	s0 =	sadd.s32 @!p0 $0x100000, s1;
	[bflag:$0x2] =	sbarrier.arrive $0xFFFF  }
0x9d: {  	[sflag:s0] =	ssyncadd.tile.s32 @!p0 $0x1;
	_ =	shalt  }
.Lfunc_end2:
_tile_overlayer_lowered:
.L_overlay_start_2:
0x9e: {  	(tag) =	ssettag $0x2  }
0x9f: {  	s0 =	rddreg [dreg:$0x0];
	s2 =	stileid.u32  }
0xa0: {  	s1 =	rddreg [dreg:$0x1];
	p0 =	sne.s32 s2, $0x0  }
0xa1: {  	s3 =	rddreg [dreg:$0x2];
	[bflag:$0x3] =	sbarrier.arrive $0xFFFF;
	s2 =	simm.s32 @!p0 $0x1C01  }
0xa2: {  	[timem:s3], [sflag:s2] =	dma.local @!p0 [hbm:s0], s1  }
0xa3: {  	s0 =	simm.s32 @!p0 $0x1  }
0xa4: {  	_ =	swait.ge @!p0 [sflag:s0], s1  }
0xa5: {  	s1 =	ssub.s32 @!p0 $0x0, s1;
	[sflag:s0] =	ssyncset.done @!p0 $0x0  }
0xa6: {  	[sflag:s0] =	ssyncadd.s32 @!p0 s1  }
0xa7: {  	[bflag:$0x3] =	sbarrier.arrive $0xFFFF  }
0xa8: {  	_ =	shalt  }

</sc_bundles>
